<compile_context>
chip_gen: v7x
topology: tpu7x:2x2x1
jax: 0.10.2.dev20260603
libtpu: 0.0.44.dev20260713+nightly
codegen_flags: <defaults>
</compile_context>

<pallas_src>
import functools

import jax
import jax.numpy as jnp
from jax import lax
from jax.experimental import pallas as pl
from jax.experimental.pallas import tpu as pltpu
from jax.experimental.pallas import tpu_sc as plsc

_RW = 32768
_W8 = _RW // 8
_SH_BLK = _RW.bit_length() - 1
_SH_S = _W8.bit_length() - 1
_MS = _W8 - 1


def _repack_body(x_ref, o_ref):
    bf16 = jnp.bfloat16
    eye = ((lax.broadcasted_iota(jnp.int32, (32, 32), 0)
            == lax.broadcasted_iota(jnp.int32, (32, 32), 1))
           .astype(bf16))
    xb = x_ref[...].astype(bf16)
    for k in range(4):
        lo = lax.dot_general(xb[:, k * _W8:(k + 1) * _W8], eye,
                             (((0,), (0,)), ((), ())),
                             preferred_element_type=jnp.float32).astype(bf16)
        hi = lax.dot_general(xb[:, (k + 4) * _W8:(k + 5) * _W8], eye,
                             (((0,), (0,)), ((), ())),
                             preferred_element_type=jnp.float32).astype(bf16)
        lo32 = lax.bitcast_convert_type(lo, jnp.uint16).astype(jnp.uint32)
        hi32 = lax.bitcast_convert_type(hi, jnp.uint16).astype(jnp.uint32)
        word = (hi32 << 16) | lo32
        o_ref[:, 32 * k:32 * (k + 1)] = lax.bitcast_convert_type(
            word, jnp.float32)


def _repack(tableT):
    V = tableT.shape[1]
    nb = (V + _RW - 1) // _RW
    return pl.pallas_call(
        _repack_body,
        grid=(nb,),
        in_specs=[pl.BlockSpec((32, _RW), lambda i: (0, i))],
        out_specs=pl.BlockSpec((_W8, 128), lambda i: (i, 0)),
        out_shape=jax.ShapeDtypeStruct((nb * _W8, 128), jnp.float32),
    )(tableT)


def _sc_gather_packed(table8, idx):
    B = idx.shape[0]
    D4 = table8.shape[1]
    info = plsc.get_sparse_core_info()
    NC, NS = info.num_cores, info.num_subcores
    L = info.num_lanes
    NW = NC * NS
    b_per_w = B // NW
    mesh = plsc.VectorSubcoreMesh(core_axis_name="c", subcore_axis_name="s")

    @functools.partial(
        pl.kernel,
        mesh=mesh,
        out_type=jax.ShapeDtypeStruct((B, D4), jnp.float32),
        scratch_types=[
            pltpu.VMEM((b_per_w,), jnp.int32),
            pltpu.VMEM((b_per_w,), jnp.int32),
            pltpu.VMEM((b_per_w, D4), jnp.float32),
            pltpu.SemaphoreType.DMA,
        ],
    )
    def gather_kernel(idx_hbm, table_hbm, out_hbm, idx_v, idx4_v, rows_v, sem):
        wid = lax.axis_index("s") * NC + lax.axis_index("c")
        base = wid * b_per_w
        pltpu.sync_copy(idx_hbm.at[pl.ds(base, b_per_w)], idx_v)
        for i in range(b_per_w // L):
            v = idx_v[pl.ds(i * L, L)]
            idx4_v[pl.ds(i * L, L)] = ((v >> _SH_BLK) << _SH_S) + (v & _MS)
        pltpu.async_copy(table_hbm.at[idx4_v], rows_v, sem).wait()
        pltpu.sync_copy(rows_v, out_hbm.at[pl.ds(base, b_per_w)])

    return gather_kernel(idx, table8)


_BT = 4096


def _mlp_body(p_ref, uid_ref, d_ref, h_ref, m_ref, dtab_ref, htab_ref,
              w1_ref, b1_ref, w2_ref, b2_ref, w3_ref, b3_ref, o_ref):
    f32 = jnp.float32
    bt = p_ref.shape[0]
    ncat = 32
    D = dtab_ref.shape[1]
    w1u_ref = w1_ref.at[pl.ds(0, D)]
    w1d_ref = w1_ref.at[pl.ds(D, D)]
    w1h_ref = w1_ref.at[pl.ds(2 * D, D)]
    w1m_ref = w1_ref.at[pl.ds(3 * D, 1)]
    uid = uid_ref[...].T
    sub = (uid >> _SH_S) & 7
    k = sub & 3
    hi = sub >> 2
    words = lax.bitcast_convert_type(p_ref[...], jnp.uint32)
    grp = jnp.where(k == 0, words[:, :D], 0)
    for j in range(1, 4):
        grp = grp | jnp.where(k == j, words[:, j * D:(j + 1) * D], 0)
    lo_f = lax.bitcast_convert_type(grp << 16, f32)
    hi_f = lax.bitcast_convert_type(grp & jnp.uint32(0xFFFF0000), f32)
    uemb = jnp.where(hi == 1, hi_f, lo_f)
    dtab = jnp.concatenate(
        [dtab_ref[...],
         jnp.zeros((ncat - dtab_ref.shape[0], D), f32)], axis=0)
    htab = jnp.concatenate(
        [htab_ref[...],
         jnp.zeros((ncat - htab_ref.shape[0], D), f32)], axis=0)
    doh = (d_ref[...].T == lax.broadcasted_iota(jnp.int32, (bt, ncat), 1)).astype(f32)
    hoh = (h_ref[...].T == lax.broadcasted_iota(jnp.int32, (bt, ncat), 1)).astype(f32)
    demb = jnp.dot(doh, dtab, preferred_element_type=f32)
    hemb = jnp.dot(hoh, htab, preferred_element_type=f32)
    acc = jnp.dot(uemb, w1u_ref[...], preferred_element_type=f32)
    acc = acc + jnp.dot(demb, w1d_ref[...], preferred_element_type=f32)
    acc = acc + jnp.dot(hemb, w1h_ref[...], preferred_element_type=f32)
    acc = acc + m_ref[...].T * w1m_ref[...]
    h1 = jnp.maximum(acc + b1_ref[...], 0.0)
    h2 = jnp.maximum(
        lax.dot_general(h1, w2_ref[...], (((1,), (1,)), ((), ())),
                        preferred_element_type=f32) + b2_ref[...], 0.0)
    o_ref[...] = lax.dot_general(
        h2, w3_ref[...], (((1,), (1,)), ((), ())),
        preferred_element_type=f32) + b3_ref[...]


def _mlp_call(packed, uidr, daysr, hoursr, mdr, dtab, htab, w1t, b1r, w2,
              b2r, w3, b3r):
    B = packed.shape[0]
    n_out = w3.shape[0]
    bt = _BT
    grid = (B // bt,)

    def row_block(cols):
        return pl.BlockSpec((bt, cols), lambda i: (i, 0))

    def col_block():
        return pl.BlockSpec((1, bt), lambda i: (0, i))

    def full(a):
        return pl.BlockSpec(a.shape, lambda i: (0,) * a.ndim)

    return pl.pallas_call(
        _mlp_body,
        grid=grid,
        in_specs=[
            row_block(packed.shape[1]),
            col_block(), col_block(), col_block(), col_block(),
            full(dtab), full(htab), full(w1t), full(b1r), full(w2),
            full(b2r), full(w3), full(b3r),
        ],
        out_specs=row_block(n_out),
        out_shape=jax.ShapeDtypeStruct((B, n_out), jnp.float32),
    )(packed, uidr, daysr, hoursr, mdr, dtab, htab, w1t, b1r, w2, b2r, w3,
      b3r)


def kernel(user_ids, hours, days, move_distance, user_table, day_table,
           hour_table, W1, b1, W2, b2, W3, b3):
    B = user_ids.shape[0]
    D = user_table.shape[1]
    f32 = jnp.float32

    uid32 = user_ids.astype(jnp.int32)
    table8 = _repack(user_table.T)
    packed = _sc_gather_packed(table8, uid32)

    b1r = b1[None, :]
    b2r = b2[None, :]
    b3r = b3[None, :]

    uidr = uid32[None, :]
    daysr = days.astype(jnp.int32)[None, :]
    hoursr = hours.astype(jnp.int32)[None, :]
    mdr = move_distance[None, :]

    return _mlp_call(packed, uidr, daysr, hoursr, mdr, day_table, hour_table,
                     W1.T, b1r, W2, b2r, W3, b3r)

# --- scband reference (transcript-rebuilt; emitter-appended) ---
"""Pipeline reference for scband-neural-matrix-factorization-60387240182382 (READ-ONLY COPY).

The authoritative reference and input builder live on the scoring server;
editing this copy changes nothing except your own understanding.
"""

import jax, jax.numpy as jnp
import numpy as np

B = 16384
NUM_USERS = 1000000
NUM_DAYS = 7
NUM_HOURS = 24
D = 32
HIDDEN = 256


def setup_inputs(seed: int = 0) -> dict:
    key = jax.random.key(seed)
    ks = jax.random.split(key, 13)
    inp = {}
    inp["user_ids"] = jax.random.randint(ks[0], (B,), 0, NUM_USERS, dtype=jnp.int64 if jax.config.jax_enable_x64 else jnp.int32)
    inp["hours"] = jax.random.randint(ks[1], (B,), 0, NUM_HOURS, dtype=jnp.int32)
    inp["days"] = jax.random.randint(ks[2], (B,), 0, NUM_DAYS, dtype=jnp.int32)
    inp["move_distance"] = jax.random.uniform(ks[3], (B,), dtype=jnp.float32)
    inp["user_table"] = jax.random.normal(ks[4], (NUM_USERS, D), jnp.float32) * 0.02
    inp["day_table"] = jax.random.normal(ks[5], (NUM_DAYS, D), jnp.float32) * 0.02
    inp["hour_table"] = jax.random.normal(ks[6], (NUM_HOURS, D), jnp.float32) * 0.02
    in1 = D * 3 + 1
    inp["W1"] = jax.random.normal(ks[7], (HIDDEN, in1), jnp.float32) * (1.0 / np.sqrt(in1))
    inp["b1"] = jnp.zeros((HIDDEN,), jnp.float32)
    inp["W2"] = jax.random.normal(ks[8], (128, HIDDEN), jnp.float32) * (1.0 / np.sqrt(HIDDEN))
    inp["b2"] = jnp.zeros((128,), jnp.float32)
    inp["W3"] = jax.random.normal(ks[9], (4, 128), jnp.float32) * (1.0 / np.sqrt(128))
    inp["b3"] = jnp.zeros((4,), jnp.float32)
    return inp


def reference(user_ids, hours, days, move_distance, user_table, day_table, hour_table, W1, b1, W2, b2, W3, b3):
    user_embedded = jnp.take(user_table, user_ids, axis=0)
    day_embedded = jnp.take(day_table, days, axis=0)
    hour_embedded = jnp.take(hour_table, hours, axis=0)
    features = jnp.concatenate([user_embedded, day_embedded, hour_embedded, move_distance[:, None]], axis=1)
    x = jax.nn.relu(features @ W1.T + b1)
    # dropout is identity in eval mode
    x = jax.nn.relu(x @ W2.T + b2)
    x = x @ W3.T + b3
    return x

if __name__ == "__main__":
    import jax
    _d = setup_inputs()
    print(jax.jit(kernel)(*tuple(_d.values())))

</pallas_src>

<mosaic_0001>
#map = affine_map<(d0, d1) -> (0)>
#map1 = affine_map<(d0, d1) -> (0, 0)>
module attributes {stable_mosaic.version = 14 : i64} {
  func.func @gather_kernel(%arg0: i32, %arg1: i32, %arg2: memref<16384xi32, #tpu.memory_space<hbm>>, %arg3: memref<126976x128xf32, #tpu.memory_space<hbm>>, %arg4: memref<16384x128xf32, #tpu.memory_space<hbm>>, %arg5: memref<512xi32, #tpu.memory_space<vmem>>, %arg6: memref<512xi32, #tpu.memory_space<vmem>>, %arg7: memref<512x128xf32, #tpu.memory_space<vmem>>, %arg8: memref<!tpu.dma_semaphore, #tpu.memory_space<semaphore_mem>>) attributes {dimension_semantics = [#tpu.dimension_semantics<core_parallel>, #tpu.dimension_semantics<subcore_parallel>], iteration_bounds = array<i64: 2, 16>, scalar_prefetch = 0 : i64, scratch_operands = 4 : i64, tpu.core_type = #tpu.core_type<sc_vector_subcore>, window_params = [{transform_indices = #map}, {transform_indices = #map1}, {transform_indices = #map1}]} {
    %mul3A = arith.constant 2 : i32
    %mul3A_0 = arith.muli %arg1, %mul3A : i32
    %add3A = arith.addi %mul3A_0, %arg0 : i32
    %mul3A_1 = arith.constant 512 : i32
    %mul3A_2 = arith.muli %add3A, %mul3A_1 : i32
    "tpu.region"() ({
      %run_scoped3A = tpu.sem_alloc : memref<!tpu.dma_semaphore, #tpu.memory_space<semaphore_mem>>
      %dma_start3A_546 = tpu.memref_slice %arg2[%mul3A_2] : memref<16384xi32, #tpu.memory_space<hbm>> -> memref<512xi32, #tpu.memory_space<hbm>>
      %dma_start3A_547 = tpu.memref_slice %arg2[%mul3A_2] : memref<16384xi32, #tpu.memory_space<hbm>> -> memref<512xi32, #tpu.memory_space<hbm>>
      tpu.enqueue_dma source(%dma_start3A_547 : memref<512xi32, #tpu.memory_space<hbm>>) target(%arg5 : memref<512xi32, #tpu.memory_space<vmem>>) target_semaphore(%run_scoped3A : memref<!tpu.dma_semaphore, #tpu.memory_space<semaphore_mem>>)
      %dma_wait3A_548 = tpu.memref_slice %arg2[%mul3A_2] : memref<16384xi32, #tpu.memory_space<hbm>> -> memref<512xi32, #tpu.memory_space<hbm>>
      %dma_wait3A_549 = tpu.memref_slice %arg2[%mul3A_2] : memref<16384xi32, #tpu.memory_space<hbm>> -> memref<512xi32, #tpu.memory_space<hbm>>
      tpu.wait_dma2 semaphore(%run_scoped3A : memref<!tpu.dma_semaphore, #tpu.memory_space<semaphore_mem>>) src(%dma_wait3A_549 : memref<512xi32, #tpu.memory_space<hbm>>) dst(%arg5 : memref<512xi32, #tpu.memory_space<vmem>>)
      tpu.yield
    }) : () -> ()
    %get3A = arith.constant 0 : index
    %get3A_3 = tpu.vector_load %arg5[%get3A] {strides = array<i32>} : memref<512xi32, #tpu.memory_space<vmem>>, vector<16xi32>,
    %get3A_4 = vector.shape_cast %get3A_3 : vector<16xi32> to vector<16xi32>
    %shift_right_arithmetic3A = arith.constant 15 : i32
    %shift_right_arithmetic3A_5 = vector.broadcast %shift_right_arithmetic3A : i32 to vector<16xi32>
    %shift_right_arithmetic3A_6 = arith.shrsi %get3A_4, %shift_right_arithmetic3A_5 : vector<16xi32>
    %shift_left3A = arith.constant 12 : i32
    %shift_left3A_7 = vector.broadcast %shift_left3A : i32 to vector<16xi32>
    %shift_left3A_8 = arith.shli %shift_right_arithmetic3A_6, %shift_left3A_7 : vector<16xi32>
    %and3A = arith.constant 4095 : i32
    %and3A_9 = vector.broadcast %and3A : i32 to vector<16xi32>
    %and3A_10 = arith.andi %get3A_4, %and3A_9 : vector<16xi32>
    %add3A_11 = arith.addi %shift_left3A_8, %and3A_10 : vector<16xi32>
    %swap3A = arith.constant 0 : index
    %swap3A_12 = tpu.vector_load %arg6[%swap3A] {strides = array<i32>} : memref<512xi32, #tpu.memory_space<vmem>>, vector<16xi32>,
    %swap3A_13 = vector.shape_cast %swap3A_12 : vector<16xi32> to vector<16xi32>
    %swap3A_14 = vector.shape_cast %add3A_11 : vector<16xi32> to vector<16xi32>
    tpu.vector_store %arg6[%swap3A], %swap3A_14 {strides = array<i32>} : memref<512xi32, #tpu.memory_space<vmem>>, vector<16xi32>,
    %get3A_15 = arith.constant 16 : index
    %get3A_16 = tpu.vector_load %arg5[%get3A_15] {strides = array<i32>} : memref<512xi32, #tpu.memory_space<vmem>>, vector<16xi32>,
    %get3A_17 = vector.shape_cast %get3A_16 : vector<16xi32> to vector<16xi32>
    %shift_right_arithmetic3A_18 = arith.constant 15 : i32
    %shift_right_arithmetic3A_19 = vector.broadcast %shift_right_arithmetic3A_18 : i32 to vector<16xi32>
    %shift_right_arithmetic3A_20 = arith.shrsi %get3A_17, %shift_right_arithmetic3A_19 : vector<16xi32>
    %shift_left3A_21 = arith.constant 12 : i32
    %shift_left3A_22 = vector.broadcast %shift_left3A_21 : i32 to vector<16xi32>
    %shift_left3A_23 = arith.shli %shift_right_arithmetic3A_20, %shift_left3A_22 : vector<16xi32>
    %and3A_24 = arith.constant 4095 : i32
    %and3A_25 = vector.broadcast %and3A_24 : i32 to vector<16xi32>
    %and3A_26 = arith.andi %get3A_17, %and3A_25 : vector<16xi32>
    %add3A_27 = arith.addi %shift_left3A_23, %and3A_26 : vector<16xi32>
    %swap3A_28 = arith.constant 16 : index
    %swap3A_29 = tpu.vector_load %arg6[%swap3A_28] {strides = array<i32>} : memref<512xi32, #tpu.memory_space<vmem>>, vector<16xi32>,
    %swap3A_30 = vector.shape_cast %swap3A_29 : vector<16xi32> to vector<16xi32>
    %swap3A_31 = vector.shape_cast %add3A_27 : vector<16xi32> to vector<16xi32>
    tpu.vector_store %arg6[%swap3A_28], %swap3A_31 {strides = array<i32>} : memref<512xi32, #tpu.memory_space<vmem>>, vector<16xi32>,
    %get3A_32 = arith.constant 32 : index
    %get3A_33 = tpu.vector_load %arg5[%get3A_32] {strides = array<i32>} : memref<512xi32, #tpu.memory_space<vmem>>, vector<16xi32>,
    %get3A_34 = vector.shape_cast %get3A_33 : vector<16xi32> to vector<16xi32>
    %shift_right_arithmetic3A_35 = arith.constant 15 : i32
    %shift_right_arithmetic3A_36 = vector.broadcast %shift_right_arithmetic3A_35 : i32 to vector<16xi32>
    %shift_right_arithmetic3A_37 = arith.shrsi %get3A_34, %shift_right_arithmetic3A_36 : vector<16xi32>
    %shift_left3A_38 = arith.constant 12 : i32
    %shift_left3A_39 = vector.broadcast %shift_left3A_38 : i32 to vector<16xi32>
    %shift_left3A_40 = arith.shli %shift_right_arithmetic3A_37, %shift_left3A_39 : vector<16xi32>
    %and3A_41 = arith.constant 4095 : i32
    %and3A_42 = vector.broadcast %and3A_41 : i32 to vector<16xi32>
    %and3A_43 = arith.andi %get3A_34, %and3A_42 : vector<16xi32>
    %add3A_44 = arith.addi %shift_left3A_40, %and3A_43 : vector<16xi32>
    %swap3A_45 = arith.constant 32 : index
    %swap3A_46 = tpu.vector_load %arg6[%swap3A_45] {strides = array<i32>} : memref<512xi32, #tpu.memory_space<vmem>>, vector<16xi32>,
    %swap3A_47 = vector.shape_cast %swap3A_46 : vector<16xi32> to vector<16xi32>
    %swap3A_48 = vector.shape_cast %add3A_44 : vector<16xi32> to vector<16xi32>
    tpu.vector_store %arg6[%swap3A_45], %swap3A_48 {strides = array<i32>} : memref<512xi32, #tpu.memory_space<vmem>>, vector<16xi32>,
    %get3A_49 = arith.constant 48 : index
    %get3A_50 = tpu.vector_load %arg5[%get3A_49] {strides = array<i32>} : memref<512xi32, #tpu.memory_space<vmem>>, vector<16xi32>,
    %get3A_51 = vector.shape_cast %get3A_50 : vector<16xi32> to vector<16xi32>
    %shift_right_arithmetic3A_52 = arith.constant 15 : i32
    %shift_right_arithmetic3A_53 = vector.broadcast %shift_right_arithmetic3A_52 : i32 to vector<16xi32>
    %shift_right_arithmetic3A_54 = arith.shrsi %get3A_51, %shift_right_arithmetic3A_53 : vector<16xi32>
    %shift_left3A_55 = arith.constant 12 : i32
    %shift_left3A_56 = vector.broadcast %shift_left3A_55 : i32 to vector<16xi32>
    %shift_left3A_57 = arith.shli %shift_right_arithmetic3A_54, %shift_left3A_56 : vector<16xi32>
    %and3A_58 = arith.constant 4095 : i32
    %and3A_59 = vector.broadcast %and3A_58 : i32 to vector<16xi32>
    %and3A_60 = arith.andi %get3A_51, %and3A_59 : vector<16xi32>
    %add3A_61 = arith.addi %shift_left3A_57, %and3A_60 : vector<16xi32>
    %swap3A_62 = arith.constant 48 : index
    %swap3A_63 = tpu.vector_load %arg6[%swap3A_62] {strides = array<i32>} : memref<512xi32, #tpu.memory_space<vmem>>, vector<16xi32>,
    %swap3A_64 = vector.shape_cast %swap3A_63 : vector<16xi32> to vector<16xi32>
    %swap3A_65 = vector.shape_cast %add3A_61 : vector<16xi32> to vector<16xi32>
    tpu.vector_store %arg6[%swap3A_62], %swap3A_65 {strides = array<i32>} : memref<512xi32, #tpu.memory_space<vmem>>, vector<16xi32>,
    %get3A_66 = arith.constant 64 : index
    %get3A_67 = tpu.vector_load %arg5[%get3A_66] {strides = array<i32>} : memref<512xi32, #tpu.memory_space<vmem>>, vector<16xi32>,
    %get3A_68 = vector.shape_cast %get3A_67 : vector<16xi32> to vector<16xi32>
    %shift_right_arithmetic3A_69 = arith.constant 15 : i32
    %shift_right_arithmetic3A_70 = vector.broadcast %shift_right_arithmetic3A_69 : i32 to vector<16xi32>
    %shift_right_arithmetic3A_71 = arith.shrsi %get3A_68, %shift_right_arithmetic3A_70 : vector<16xi32>
    %shift_left3A_72 = arith.constant 12 : i32
    %shift_left3A_73 = vector.broadcast %shift_left3A_72 : i32 to vector<16xi32>
    %shift_left3A_74 = arith.shli %shift_right_arithmetic3A_71, %shift_left3A_73 : vector<16xi32>
    %and3A_75 = arith.constant 4095 : i32
    %and3A_76 = vector.broadcast %and3A_75 : i32 to vector<16xi32>
    %and3A_77 = arith.andi %get3A_68, %and3A_76 : vector<16xi32>
    %add3A_78 = arith.addi %shift_left3A_74, %and3A_77 : vector<16xi32>
    %swap3A_79 = arith.constant 64 : index
    %swap3A_80 = tpu.vector_load %arg6[%swap3A_79] {strides = array<i32>} : memref<512xi32, #tpu.memory_space<vmem>>, vector<16xi32>,
    %swap3A_81 = vector.shape_cast %swap3A_80 : vector<16xi32> to vector<16xi32>
    %swap3A_82 = vector.shape_cast %add3A_78 : vector<16xi32> to vector<16xi32>
    tpu.vector_store %arg6[%swap3A_79], %swap3A_82 {strides = array<i32>} : memref<512xi32, #tpu.memory_space<vmem>>, vector<16xi32>,
    %get3A_83 = arith.constant 80 : index
    %get3A_84 = tpu.vector_load %arg5[%get3A_83] {strides = array<i32>} : memref<512xi32, #tpu.memory_space<vmem>>, vector<16xi32>,
    %get3A_85 = vector.shape_cast %get3A_84 : vector<16xi32> to vector<16xi32>
    %shift_right_arithmetic3A_86 = arith.constant 15 : i32
    %shift_right_arithmetic3A_87 = vector.broadcast %shift_right_arithmetic3A_86 : i32 to vector<16xi32>
    %shift_right_arithmetic3A_88 = arith.shrsi %get3A_85, %shift_right_arithmetic3A_87 : vector<16xi32>
    %shift_left3A_89 = arith.constant 12 : i32
    %shift_left3A_90 = vector.broadcast %shift_left3A_89 : i32 to vector<16xi32>
    %shift_left3A_91 = arith.shli %shift_right_arithmetic3A_88, %shift_left3A_90 : vector<16xi32>
    %and3A_92 = arith.constant 4095 : i32
    %and3A_93 = vector.broadcast %and3A_92 : i32 to vector<16xi32>
    %and3A_94 = arith.andi %get3A_85, %and3A_93 : vector<16xi32>
    %add3A_95 = arith.addi %shift_left3A_91, %and3A_94 : vector<16xi32>
    %swap3A_96 = arith.constant 80 : index
    %swap3A_97 = tpu.vector_load %arg6[%swap3A_96] {strides = array<i32>} : memref<512xi32, #tpu.memory_space<vmem>>, vector<16xi32>,
    %swap3A_98 = vector.shape_cast %swap3A_97 : vector<16xi32> to vector<16xi32>
    %swap3A_99 = vector.shape_cast %add3A_95 : vector<16xi32> to vector<16xi32>
    tpu.vector_store %arg6[%swap3A_96], %swap3A_99 {strides = array<i32>} : memref<512xi32, #tpu.memory_space<vmem>>, vector<16xi32>,
    %get3A_100 = arith.constant 96 : index
    %get3A_101 = tpu.vector_load %arg5[%get3A_100] {strides = array<i32>} : memref<512xi32, #tpu.memory_space<vmem>>, vector<16xi32>,
    %get3A_102 = vector.shape_cast %get3A_101 : vector<16xi32> to vector<16xi32>
    %shift_right_arithmetic3A_103 = arith.constant 15 : i32
    %shift_right_arithmetic3A_104 = vector.broadcast %shift_right_arithmetic3A_103 : i32 to vector<16xi32>
    %shift_right_arithmetic3A_105 = arith.shrsi %get3A_102, %shift_right_arithmetic3A_104 : vector<16xi32>
    %shift_left3A_106 = arith.constant 12 : i32
    %shift_left3A_107 = vector.broadcast %shift_left3A_106 : i32 to vector<16xi32>
    %shift_left3A_108 = arith.shli %shift_right_arithmetic3A_105, %shift_left3A_107 : vector<16xi32>
    %and3A_109 = arith.constant 4095 : i32
    %and3A_110 = vector.broadcast %and3A_109 : i32 to vector<16xi32>
    %and3A_111 = arith.andi %get3A_102, %and3A_110 : vector<16xi32>
    %add3A_112 = arith.addi %shift_left3A_108, %and3A_111 : vector<16xi32>
    %swap3A_113 = arith.constant 96 : index
    %swap3A_114 = tpu.vector_load %arg6[%swap3A_113] {strides = array<i32>} : memref<512xi32, #tpu.memory_space<vmem>>, vector<16xi32>,
    %swap3A_115 = vector.shape_cast %swap3A_114 : vector<16xi32> to vector<16xi32>
    %swap3A_116 = vector.shape_cast %add3A_112 : vector<16xi32> to vector<16xi32>
    tpu.vector_store %arg6[%swap3A_113], %swap3A_116 {strides = array<i32>} : memref<512xi32, #tpu.memory_space<vmem>>, vector<16xi32>,
    %get3A_117 = arith.constant 112 : index
    %get3A_118 = tpu.vector_load %arg5[%get3A_117] {strides = array<i32>} : memref<512xi32, #tpu.memory_space<vmem>>, vector<16xi32>,
    %get3A_119 = vector.shape_cast %get3A_118 : vector<16xi32> to vector<16xi32>
    %shift_right_arithmetic3A_120 = arith.constant 15 : i32
    %shift_right_arithmetic3A_121 = vector.broadcast %shift_right_arithmetic3A_120 : i32 to vector<16xi32>
    %shift_right_arithmetic3A_122 = arith.shrsi %get3A_119, %shift_right_arithmetic3A_121 : vector<16xi32>
    %shift_left3A_123 = arith.constant 12 : i32
    %shift_left3A_124 = vector.broadcast %shift_left3A_123 : i32 to vector<16xi32>
    %shift_left3A_125 = arith.shli %shift_right_arithmetic3A_122, %shift_left3A_124 : vector<16xi32>
    %and3A_126 = arith.constant 4095 : i32
    %and3A_127 = vector.broadcast %and3A_126 : i32 to vector<16xi32>
    %and3A_128 = arith.andi %get3A_119, %and3A_127 : vector<16xi32>
    %add3A_129 = arith.addi %shift_left3A_125, %and3A_128 : vector<16xi32>
    %swap3A_130 = arith.constant 112 : index
    %swap3A_131 = tpu.vector_load %arg6[%swap3A_130] {strides = array<i32>} : memref<512xi32, #tpu.memory_space<vmem>>, vector<16xi32>,
    %swap3A_132 = vector.shape_cast %swap3A_131 : vector<16xi32> to vector<16xi32>
    %swap3A_133 = vector.shape_cast %add3A_129 : vector<16xi32> to vector<16xi32>
    tpu.vector_store %arg6[%swap3A_130], %swap3A_133 {strides = array<i32>} : memref<512xi32, #tpu.memory_space<vmem>>, vector<16xi32>,
    %get3A_134 = arith.constant 128 : index
    %get3A_135 = tpu.vector_load %arg5[%get3A_134] {strides = array<i32>} : memref<512xi32, #tpu.memory_space<vmem>>, vector<16xi32>,
    %get3A_136 = vector.shape_cast %get3A_135 : vector<16xi32> to vector<16xi32>
    %shift_right_arithmetic3A_137 = arith.constant 15 : i32
    %shift_right_arithmetic3A_138 = vector.broadcast %shift_right_arithmetic3A_137 : i32 to vector<16xi32>
    %shift_right_arithmetic3A_139 = arith.shrsi %get3A_136, %shift_right_arithmetic3A_138 : vector<16xi32>
    %shift_left3A_140 = arith.constant 12 : i32
    %shift_left3A_141 = vector.broadcast %shift_left3A_140 : i32 to vector<16xi32>
    %shift_left3A_142 = arith.shli %shift_right_arithmetic3A_139, %shift_left3A_141 : vector<16xi32>
    %and3A_143 = arith.constant 4095 : i32
    %and3A_144 = vector.broadcast %and3A_143 : i32 to vector<16xi32>
    %and3A_145 = arith.andi %get3A_136, %and3A_144 : vector<16xi32>
    %add3A_146 = arith.addi %shift_left3A_142, %and3A_145 : vector<16xi32>
    %swap3A_147 = arith.constant 128 : index
    %swap3A_148 = tpu.vector_load %arg6[%swap3A_147] {strides = array<i32>} : memref<512xi32, #tpu.memory_space<vmem>>, vector<16xi32>,
    %swap3A_149 = vector.shape_cast %swap3A_148 : vector<16xi32> to vector<16xi32>
    %swap3A_150 = vector.shape_cast %add3A_146 : vector<16xi32> to vector<16xi32>
    tpu.vector_store %arg6[%swap3A_147], %swap3A_150 {strides = array<i32>} : memref<512xi32, #tpu.memory_space<vmem>>, vector<16xi32>,
    %get3A_151 = arith.constant 144 : index
    %get3A_152 = tpu.vector_load %arg5[%get3A_151] {strides = array<i32>} : memref<512xi32, #tpu.memory_space<vmem>>, vector<16xi32>,
    %get3A_153 = vector.shape_cast %get3A_152 : vector<16xi32> to vector<16xi32>
    %shift_right_arithmetic3A_154 = arith.constant 15 : i32
    %shift_right_arithmetic3A_155 = vector.broadcast %shift_right_arithmetic3A_154 : i32 to vector<16xi32>
    %shift_right_arithmetic3A_156 = arith.shrsi %get3A_153, %shift_right_arithmetic3A_155 : vector<16xi32>
    %shift_left3A_157 = arith.constant 12 : i32
    %shift_left3A_158 = vector.broadcast %shift_left3A_157 : i32 to vector<16xi32>
    %shift_left3A_159 = arith.shli %shift_right_arithmetic3A_156, %shift_left3A_158 : vector<16xi32>
    %and3A_160 = arith.constant 4095 : i32
    %and3A_161 = vector.broadcast %and3A_160 : i32 to vector<16xi32>
    %and3A_162 = arith.andi %get3A_153, %and3A_161 : vector<16xi32>
    %add3A_163 = arith.addi %shift_left3A_159, %and3A_162 : vector<16xi32>
    %swap3A_164 = arith.constant 144 : index
    %swap3A_165 = tpu.vector_load %arg6[%swap3A_164] {strides = array<i32>} : memref<512xi32, #tpu.memory_space<vmem>>, vector<16xi32>,
    %swap3A_166 = vector.shape_cast %swap3A_165 : vector<16xi32> to vector<16xi32>
    %swap3A_167 = vector.shape_cast %add3A_163 : vector<16xi32> to vector<16xi32>
    tpu.vector_store %arg6[%swap3A_164], %swap3A_167 {strides = array<i32>} : memref<512xi32, #tpu.memory_space<vmem>>, vector<16xi32>,
    %get3A_168 = arith.constant 160 : index
    %get3A_169 = tpu.vector_load %arg5[%get3A_168] {strides = array<i32>} : memref<512xi32, #tpu.memory_space<vmem>>, vector<16xi32>,
    %get3A_170 = vector.shape_cast %get3A_169 : vector<16xi32> to vector<16xi32>
    %shift_right_arithmetic3A_171 = arith.constant 15 : i32
    %shift_right_arithmetic3A_172 = vector.broadcast %shift_right_arithmetic3A_171 : i32 to vector<16xi32>
    %shift_right_arithmetic3A_173 = arith.shrsi %get3A_170, %shift_right_arithmetic3A_172 : vector<16xi32>
    %shift_left3A_174 = arith.constant 12 : i32
    %shift_left3A_175 = vector.broadcast %shift_left3A_174 : i32 to vector<16xi32>
    %shift_left3A_176 = arith.shli %shift_right_arithmetic3A_173, %shift_left3A_175 : vector<16xi32>
    %and3A_177 = arith.constant 4095 : i32
    %and3A_178 = vector.broadcast %and3A_177 : i32 to vector<16xi32>
    %and3A_179 = arith.andi %get3A_170, %and3A_178 : vector<16xi32>
    %add3A_180 = arith.addi %shift_left3A_176, %and3A_179 : vector<16xi32>
    %swap3A_181 = arith.constant 160 : index
    %swap3A_182 = tpu.vector_load %arg6[%swap3A_181] {strides = array<i32>} : memref<512xi32, #tpu.memory_space<vmem>>, vector<16xi32>,
    %swap3A_183 = vector.shape_cast %swap3A_182 : vector<16xi32> to vector<16xi32>
    %swap3A_184 = vector.shape_cast %add3A_180 : vector<16xi32> to vector<16xi32>
    tpu.vector_store %arg6[%swap3A_181], %swap3A_184 {strides = array<i32>} : memref<512xi32, #tpu.memory_space<vmem>>, vector<16xi32>,
    %get3A_185 = arith.constant 176 : index
    %get3A_186 = tpu.vector_load %arg5[%get3A_185] {strides = array<i32>} : memref<512xi32, #tpu.memory_space<vmem>>, vector<16xi32>,
    %get3A_187 = vector.shape_cast %get3A_186 : vector<16xi32> to vector<16xi32>
    %shift_right_arithmetic3A_188 = arith.constant 15 : i32
    %shift_right_arithmetic3A_189 = vector.broadcast %shift_right_arithmetic3A_188 : i32 to vector<16xi32>
    %shift_right_arithmetic3A_190 = arith.shrsi %get3A_187, %shift_right_arithmetic3A_189 : vector<16xi32>
    %shift_left3A_191 = arith.constant 12 : i32
    %shift_left3A_192 = vector.broadcast %shift_left3A_191 : i32 to vector<16xi32>
    %shift_left3A_193 = arith.shli %shift_right_arithmetic3A_190, %shift_left3A_192 : vector<16xi32>
    %and3A_194 = arith.constant 4095 : i32
    %and3A_195 = vector.broadcast %and3A_194 : i32 to vector<16xi32>
    %and3A_196 = arith.andi %get3A_187, %and3A_195 : vector<16xi32>
    %add3A_197 = arith.addi %shift_left3A_193, %and3A_196 : vector<16xi32>
    %swap3A_198 = arith.constant 176 : index
    %swap3A_199 = tpu.vector_load %arg6[%swap3A_198] {strides = array<i32>} : memref<512xi32, #tpu.memory_space<vmem>>, vector<16xi32>,
    %swap3A_200 = vector.shape_cast %swap3A_199 : vector<16xi32> to vector<16xi32>
    %swap3A_201 = vector.shape_cast %add3A_197 : vector<16xi32> to vector<16xi32>
    tpu.vector_store %arg6[%swap3A_198], %swap3A_201 {strides = array<i32>} : memref<512xi32, #tpu.memory_space<vmem>>, vector<16xi32>,
    %get3A_202 = arith.constant 192 : index
    %get3A_203 = tpu.vector_load %arg5[%get3A_202] {strides = array<i32>} : memref<512xi32, #tpu.memory_space<vmem>>, vector<16xi32>,
    %get3A_204 = vector.shape_cast %get3A_203 : vector<16xi32> to vector<16xi32>
    %shift_right_arithmetic3A_205 = arith.constant 15 : i32
    %shift_right_arithmetic3A_206 = vector.broadcast %shift_right_arithmetic3A_205 : i32 to vector<16xi32>
    %shift_right_arithmetic3A_207 = arith.shrsi %get3A_204, %shift_right_arithmetic3A_206 : vector<16xi32>
    %shift_left3A_208 = arith.constant 12 : i32
    %shift_left3A_209 = vector.broadcast %shift_left3A_208 : i32 to vector<16xi32>
    %shift_left3A_210 = arith.shli %shift_right_arithmetic3A_207, %shift_left3A_209 : vector<16xi32>
    %and3A_211 = arith.constant 4095 : i32
    %and3A_212 = vector.broadcast %and3A_211 : i32 to vector<16xi32>
    %and3A_213 = arith.andi %get3A_204, %and3A_212 : vector<16xi32>
    %add3A_214 = arith.addi %shift_left3A_210, %and3A_213 : vector<16xi32>
    %swap3A_215 = arith.constant 192 : index
    %swap3A_216 = tpu.vector_load %arg6[%swap3A_215] {strides = array<i32>} : memref<512xi32, #tpu.memory_space<vmem>>, vector<16xi32>,
    %swap3A_217 = vector.shape_cast %swap3A_216 : vector<16xi32> to vector<16xi32>
    %swap3A_218 = vector.shape_cast %add3A_214 : vector<16xi32> to vector<16xi32>
    tpu.vector_store %arg6[%swap3A_215], %swap3A_218 {strides = array<i32>} : memref<512xi32, #tpu.memory_space<vmem>>, vector<16xi32>,
    %get3A_219 = arith.constant 208 : index
    %get3A_220 = tpu.vector_load %arg5[%get3A_219] {strides = array<i32>} : memref<512xi32, #tpu.memory_space<vmem>>, vector<16xi32>,
    %get3A_221 = vector.shape_cast %get3A_220 : vector<16xi32> to vector<16xi32>
    %shift_right_arithmetic3A_222 = arith.constant 15 : i32
    %shift_right_arithmetic3A_223 = vector.broadcast %shift_right_arithmetic3A_222 : i32 to vector<16xi32>
    %shift_right_arithmetic3A_224 = arith.shrsi %get3A_221, %shift_right_arithmetic3A_223 : vector<16xi32>
    %shift_left3A_225 = arith.constant 12 : i32
    %shift_left3A_226 = vector.broadcast %shift_left3A_225 : i32 to vector<16xi32>
    %shift_left3A_227 = arith.shli %shift_right_arithmetic3A_224, %shift_left3A_226 : vector<16xi32>
    %and3A_228 = arith.constant 4095 : i32
    %and3A_229 = vector.broadcast %and3A_228 : i32 to vector<16xi32>
    %and3A_230 = arith.andi %get3A_221, %and3A_229 : vector<16xi32>
    %add3A_231 = arith.addi %shift_left3A_227, %and3A_230 : vector<16xi32>
    %swap3A_232 = arith.constant 208 : index
    %swap3A_233 = tpu.vector_load %arg6[%swap3A_232] {strides = array<i32>} : memref<512xi32, #tpu.memory_space<vmem>>, vector<16xi32>,
    %swap3A_234 = vector.shape_cast %swap3A_233 : vector<16xi32> to vector<16xi32>
    %swap3A_235 = vector.shape_cast %add3A_231 : vector<16xi32> to vector<16xi32>
    tpu.vector_store %arg6[%swap3A_232], %swap3A_235 {strides = array<i32>} : memref<512xi32, #tpu.memory_space<vmem>>, vector<16xi32>,
    %get3A_236 = arith.constant 224 : index
    %get3A_237 = tpu.vector_load %arg5[%get3A_236] {strides = array<i32>} : memref<512xi32, #tpu.memory_space<vmem>>, vector<16xi32>,
    %get3A_238 = vector.shape_cast %get3A_237 : vector<16xi32> to vector<16xi32>
    %shift_right_arithmetic3A_239 = arith.constant 15 : i32
    %shift_right_arithmetic3A_240 = vector.broadcast %shift_right_arithmetic3A_239 : i32 to vector<16xi32>
    %shift_right_arithmetic3A_241 = arith.shrsi %get3A_238, %shift_right_arithmetic3A_240 : vector<16xi32>
    %shift_left3A_242 = arith.constant 12 : i32
    %shift_left3A_243 = vector.broadcast %shift_left3A_242 : i32 to vector<16xi32>
    %shift_left3A_244 = arith.shli %shift_right_arithmetic3A_241, %shift_left3A_243 : vector<16xi32>
    %and3A_245 = arith.constant 4095 : i32
    %and3A_246 = vector.broadcast %and3A_245 : i32 to vector<16xi32>
    %and3A_247 = arith.andi %get3A_238, %and3A_246 : vector<16xi32>
    %add3A_248 = arith.addi %shift_left3A_244, %and3A_247 : vector<16xi32>
    %swap3A_249 = arith.constant 224 : index
    %swap3A_250 = tpu.vector_load %arg6[%swap3A_249] {strides = array<i32>} : memref<512xi32, #tpu.memory_space<vmem>>, vector<16xi32>,
    %swap3A_251 = vector.shape_cast %swap3A_250 : vector<16xi32> to vector<16xi32>
    %swap3A_252 = vector.shape_cast %add3A_248 : vector<16xi32> to vector<16xi32>
    tpu.vector_store %arg6[%swap3A_249], %swap3A_252 {strides = array<i32>} : memref<512xi32, #tpu.memory_space<vmem>>, vector<16xi32>,
    %get3A_253 = arith.constant 240 : index
    %get3A_254 = tpu.vector_load %arg5[%get3A_253] {strides = array<i32>} : memref<512xi32, #tpu.memory_space<vmem>>, vector<16xi32>,
    %get3A_255 = vector.shape_cast %get3A_254 : vector<16xi32> to vector<16xi32>
    %shift_right_arithmetic3A_256 = arith.constant 15 : i32
    %shift_right_arithmetic3A_257 = vector.broadcast %shift_right_arithmetic3A_256 : i32 to vector<16xi32>
    %shift_right_arithmetic3A_258 = arith.shrsi %get3A_255, %shift_right_arithmetic3A_257 : vector<16xi32>
    %shift_left3A_259 = arith.constant 12 : i32
    %shift_left3A_260 = vector.broadcast %shift_left3A_259 : i32 to vector<16xi32>
    %shift_left3A_261 = arith.shli %shift_right_arithmetic3A_258, %shift_left3A_260 : vector<16xi32>
    %and3A_262 = arith.constant 4095 : i32
    %and3A_263 = vector.broadcast %and3A_262 : i32 to vector<16xi32>
    %and3A_264 = arith.andi %get3A_255, %and3A_263 : vector<16xi32>
    %add3A_265 = arith.addi %shift_left3A_261, %and3A_264 : vector<16xi32>
    %swap3A_266 = arith.constant 240 : index
    %swap3A_267 = tpu.vector_load %arg6[%swap3A_266] {strides = array<i32>} : memref<512xi32, #tpu.memory_space<vmem>>, vector<16xi32>,
    %swap3A_268 = vector.shape_cast %swap3A_267 : vector<16xi32> to vector<16xi32>
    %swap3A_269 = vector.shape_cast %add3A_265 : vector<16xi32> to vector<16xi32>
    tpu.vector_store %arg6[%swap3A_266], %swap3A_269 {strides = array<i32>} : memref<512xi32, #tpu.memory_space<vmem>>, vector<16xi32>,
    %get3A_270 = arith.constant 256 : index
    %get3A_271 = tpu.vector_load %arg5[%get3A_270] {strides = array<i32>} : memref<512xi32, #tpu.memory_space<vmem>>, vector<16xi32>,
    %get3A_272 = vector.shape_cast %get3A_271 : vector<16xi32> to vector<16xi32>
    %shift_right_arithmetic3A_273 = arith.constant 15 : i32
    %shift_right_arithmetic3A_274 = vector.broadcast %shift_right_arithmetic3A_273 : i32 to vector<16xi32>
    %shift_right_arithmetic3A_275 = arith.shrsi %get3A_272, %shift_right_arithmetic3A_274 : vector<16xi32>
    %shift_left3A_276 = arith.constant 12 : i32
    %shift_left3A_277 = vector.broadcast %shift_left3A_276 : i32 to vector<16xi32>
    %shift_left3A_278 = arith.shli %shift_right_arithmetic3A_275, %shift_left3A_277 : vector<16xi32>
    %and3A_279 = arith.constant 4095 : i32
    %and3A_280 = vector.broadcast %and3A_279 : i32 to vector<16xi32>
    %and3A_281 = arith.andi %get3A_272, %and3A_280 : vector<16xi32>
    %add3A_282 = arith.addi %shift_left3A_278, %and3A_281 : vector<16xi32>
    %swap3A_283 = arith.constant 256 : index
    %swap3A_284 = tpu.vector_load %arg6[%swap3A_283] {strides = array<i32>} : memref<512xi32, #tpu.memory_space<vmem>>, vector<16xi32>,
    %swap3A_285 = vector.shape_cast %swap3A_284 : vector<16xi32> to vector<16xi32>
    %swap3A_286 = vector.shape_cast %add3A_282 : vector<16xi32> to vector<16xi32>
    tpu.vector_store %arg6[%swap3A_283], %swap3A_286 {strides = array<i32>} : memref<512xi32, #tpu.memory_space<vmem>>, vector<16xi32>,
    %get3A_287 = arith.constant 272 : index
    %get3A_288 = tpu.vector_load %arg5[%get3A_287] {strides = array<i32>} : memref<512xi32, #tpu.memory_space<vmem>>, vector<16xi32>,
    %get3A_289 = vector.shape_cast %get3A_288 : vector<16xi32> to vector<16xi32>
    %shift_right_arithmetic3A_290 = arith.constant 15 : i32
    %shift_right_arithmetic3A_291 = vector.broadcast %shift_right_arithmetic3A_290 : i32 to vector<16xi32>
    %shift_right_arithmetic3A_292 = arith.shrsi %get3A_289, %shift_right_arithmetic3A_291 : vector<16xi32>
    %shift_left3A_293 = arith.constant 12 : i32
    %shift_left3A_294 = vector.broadcast %shift_left3A_293 : i32 to vector<16xi32>
    %shift_left3A_295 = arith.shli %shift_right_arithmetic3A_292, %shift_left3A_294 : vector<16xi32>
    %and3A_296 = arith.constant 4095 : i32
    %and3A_297 = vector.broadcast %and3A_296 : i32 to vector<16xi32>
    %and3A_298 = arith.andi %get3A_289, %and3A_297 : vector<16xi32>
    %add3A_299 = arith.addi %shift_left3A_295, %and3A_298 : vector<16xi32>
    %swap3A_300 = arith.constant 272 : index
    %swap3A_301 = tpu.vector_load %arg6[%swap3A_300] {strides = array<i32>} : memref<512xi32, #tpu.memory_space<vmem>>, vector<16xi32>,
    %swap3A_302 = vector.shape_cast %swap3A_301 : vector<16xi32> to vector<16xi32>
    %swap3A_303 = vector.shape_cast %add3A_299 : vector<16xi32> to vector<16xi32>
    tpu.vector_store %arg6[%swap3A_300], %swap3A_303 {strides = array<i32>} : memref<512xi32, #tpu.memory_space<vmem>>, vector<16xi32>,
    %get3A_304 = arith.constant 288 : index
    %get3A_305 = tpu.vector_load %arg5[%get3A_304] {strides = array<i32>} : memref<512xi32, #tpu.memory_space<vmem>>, vector<16xi32>,
    %get3A_306 = vector.shape_cast %get3A_305 : vector<16xi32> to vector<16xi32>
    %shift_right_arithmetic3A_307 = arith.constant 15 : i32
    %shift_right_arithmetic3A_308 = vector.broadcast %shift_right_arithmetic3A_307 : i32 to vector<16xi32>
    %shift_right_arithmetic3A_309 = arith.shrsi %get3A_306, %shift_right_arithmetic3A_308 : vector<16xi32>
    %shift_left3A_310 = arith.constant 12 : i32
    %shift_left3A_311 = vector.broadcast %shift_left3A_310 : i32 to vector<16xi32>
    %shift_left3A_312 = arith.shli %shift_right_arithmetic3A_309, %shift_left3A_311 : vector<16xi32>
    %and3A_313 = arith.constant 4095 : i32
    %and3A_314 = vector.broadcast %and3A_313 : i32 to vector<16xi32>
    %and3A_315 = arith.andi %get3A_306, %and3A_314 : vector<16xi32>
    %add3A_316 = arith.addi %shift_left3A_312, %and3A_315 : vector<16xi32>
    %swap3A_317 = arith.constant 288 : index
    %swap3A_318 = tpu.vector_load %arg6[%swap3A_317] {strides = array<i32>} : memref<512xi32, #tpu.memory_space<vmem>>, vector<16xi32>,
    %swap3A_319 = vector.shape_cast %swap3A_318 : vector<16xi32> to vector<16xi32>
    %swap3A_320 = vector.shape_cast %add3A_316 : vector<16xi32> to vector<16xi32>
    tpu.vector_store %arg6[%swap3A_317], %swap3A_320 {strides = array<i32>} : memref<512xi32, #tpu.memory_space<vmem>>, vector<16xi32>,
    %get3A_321 = arith.constant 304 : index
    %get3A_322 = tpu.vector_load %arg5[%get3A_321] {strides = array<i32>} : memref<512xi32, #tpu.memory_space<vmem>>, vector<16xi32>,
    %get3A_323 = vector.shape_cast %get3A_322 : vector<16xi32> to vector<16xi32>
    %shift_right_arithmetic3A_324 = arith.constant 15 : i32
    %shift_right_arithmetic3A_325 = vector.broadcast %shift_right_arithmetic3A_324 : i32 to vector<16xi32>
    %shift_right_arithmetic3A_326 = arith.shrsi %get3A_323, %shift_right_arithmetic3A_325 : vector<16xi32>
    %shift_left3A_327 = arith.constant 12 : i32
    %shift_left3A_328 = vector.broadcast %shift_left3A_327 : i32 to vector<16xi32>
    %shift_left3A_329 = arith.shli %shift_right_arithmetic3A_326, %shift_left3A_328 : vector<16xi32>
    %and3A_330 = arith.constant 4095 : i32
    %and3A_331 = vector.broadcast %and3A_330 : i32 to vector<16xi32>
    %and3A_332 = arith.andi %get3A_323, %and3A_331 : vector<16xi32>
    %add3A_333 = arith.addi %shift_left3A_329, %and3A_332 : vector<16xi32>
    %swap3A_334 = arith.constant 304 : index
    %swap3A_335 = tpu.vector_load %arg6[%swap3A_334] {strides = array<i32>} : memref<512xi32, #tpu.memory_space<vmem>>, vector<16xi32>,
    %swap3A_336 = vector.shape_cast %swap3A_335 : vector<16xi32> to vector<16xi32>
    %swap3A_337 = vector.shape_cast %add3A_333 : vector<16xi32> to vector<16xi32>
    tpu.vector_store %arg6[%swap3A_334], %swap3A_337 {strides = array<i32>} : memref<512xi32, #tpu.memory_space<vmem>>, vector<16xi32>,
    %get3A_338 = arith.constant 320 : index
    %get3A_339 = tpu.vector_load %arg5[%get3A_338] {strides = array<i32>} : memref<512xi32, #tpu.memory_space<vmem>>, vector<16xi32>,
    %get3A_340 = vector.shape_cast %get3A_339 : vector<16xi32> to vector<16xi32>
    %shift_right_arithmetic3A_341 = arith.constant 15 : i32
    %shift_right_arithmetic3A_342 = vector.broadcast %shift_right_arithmetic3A_341 : i32 to vector<16xi32>
    %shift_right_arithmetic3A_343 = arith.shrsi %get3A_340, %shift_right_arithmetic3A_342 : vector<16xi32>
    %shift_left3A_344 = arith.constant 12 : i32
    %shift_left3A_345 = vector.broadcast %shift_left3A_344 : i32 to vector<16xi32>
    %shift_left3A_346 = arith.shli %shift_right_arithmetic3A_343, %shift_left3A_345 : vector<16xi32>
    %and3A_347 = arith.constant 4095 : i32
    %and3A_348 = vector.broadcast %and3A_347 : i32 to vector<16xi32>
    %and3A_349 = arith.andi %get3A_340, %and3A_348 : vector<16xi32>
    %add3A_350 = arith.addi %shift_left3A_346, %and3A_349 : vector<16xi32>
    %swap3A_351 = arith.constant 320 : index
    %swap3A_352 = tpu.vector_load %arg6[%swap3A_351] {strides = array<i32>} : memref<512xi32, #tpu.memory_space<vmem>>, vector<16xi32>,
    %swap3A_353 = vector.shape_cast %swap3A_352 : vector<16xi32> to vector<16xi32>
    %swap3A_354 = vector.shape_cast %add3A_350 : vector<16xi32> to vector<16xi32>
    tpu.vector_store %arg6[%swap3A_351], %swap3A_354 {strides = array<i32>} : memref<512xi32, #tpu.memory_space<vmem>>, vector<16xi32>,
    %get3A_355 = arith.constant 336 : index
    %get3A_356 = tpu.vector_load %arg5[%get3A_355] {strides = array<i32>} : memref<512xi32, #tpu.memory_space<vmem>>, vector<16xi32>,
    %get3A_357 = vector.shape_cast %get3A_356 : vector<16xi32> to vector<16xi32>
    %shift_right_arithmetic3A_358 = arith.constant 15 : i32
    %shift_right_arithmetic3A_359 = vector.broadcast %shift_right_arithmetic3A_358 : i32 to vector<16xi32>
    %shift_right_arithmetic3A_360 = arith.shrsi %get3A_357, %shift_right_arithmetic3A_359 : vector<16xi32>
    %shift_left3A_361 = arith.constant 12 : i32
    %shift_left3A_362 = vector.broadcast %shift_left3A_361 : i32 to vector<16xi32>
    %shift_left3A_363 = arith.shli %shift_right_arithmetic3A_360, %shift_left3A_362 : vector<16xi32>
    %and3A_364 = arith.constant 4095 : i32
    %and3A_365 = vector.broadcast %and3A_364 : i32 to vector<16xi32>
    %and3A_366 = arith.andi %get3A_357, %and3A_365 : vector<16xi32>
    %add3A_367 = arith.addi %shift_left3A_363, %and3A_366 : vector<16xi32>
    %swap3A_368 = arith.constant 336 : index
    %swap3A_369 = tpu.vector_load %arg6[%swap3A_368] {strides = array<i32>} : memref<512xi32, #tpu.memory_space<vmem>>, vector<16xi32>,
    %swap3A_370 = vector.shape_cast %swap3A_369 : vector<16xi32> to vector<16xi32>
    %swap3A_371 = vector.shape_cast %add3A_367 : vector<16xi32> to vector<16xi32>
    tpu.vector_store %arg6[%swap3A_368], %swap3A_371 {strides = array<i32>} : memref<512xi32, #tpu.memory_space<vmem>>, vector<16xi32>,
    %get3A_372 = arith.constant 352 : index
    %get3A_373 = tpu.vector_load %arg5[%get3A_372] {strides = array<i32>} : memref<512xi32, #tpu.memory_space<vmem>>, vector<16xi32>,
    %get3A_374 = vector.shape_cast %get3A_373 : vector<16xi32> to vector<16xi32>
    %shift_right_arithmetic3A_375 = arith.constant 15 : i32
    %shift_right_arithmetic3A_376 = vector.broadcast %shift_right_arithmetic3A_375 : i32 to vector<16xi32>
    %shift_right_arithmetic3A_377 = arith.shrsi %get3A_374, %shift_right_arithmetic3A_376 : vector<16xi32>
    %shift_left3A_378 = arith.constant 12 : i32
    %shift_left3A_379 = vector.broadcast %shift_left3A_378 : i32 to vector<16xi32>
    %shift_left3A_380 = arith.shli %shift_right_arithmetic3A_377, %shift_left3A_379 : vector<16xi32>
    %and3A_381 = arith.constant 4095 : i32
    %and3A_382 = vector.broadcast %and3A_381 : i32 to vector<16xi32>
    %and3A_383 = arith.andi %get3A_374, %and3A_382 : vector<16xi32>
    %add3A_384 = arith.addi %shift_left3A_380, %and3A_383 : vector<16xi32>
    %swap3A_385 = arith.constant 352 : index
    %swap3A_386 = tpu.vector_load %arg6[%swap3A_385] {strides = array<i32>} : memref<512xi32, #tpu.memory_space<vmem>>, vector<16xi32>,
    %swap3A_387 = vector.shape_cast %swap3A_386 : vector<16xi32> to vector<16xi32>
    %swap3A_388 = vector.shape_cast %add3A_384 : vector<16xi32> to vector<16xi32>
    tpu.vector_store %arg6[%swap3A_385], %swap3A_388 {strides = array<i32>} : memref<512xi32, #tpu.memory_space<vmem>>, vector<16xi32>,
    %get3A_389 = arith.constant 368 : index
    %get3A_390 = tpu.vector_load %arg5[%get3A_389] {strides = array<i32>} : memref<512xi32, #tpu.memory_space<vmem>>, vector<16xi32>,
    %get3A_391 = vector.shape_cast %get3A_390 : vector<16xi32> to vector<16xi32>
    %shift_right_arithmetic3A_392 = arith.constant 15 : i32
    %shift_right_arithmetic3A_393 = vector.broadcast %shift_right_arithmetic3A_392 : i32 to vector<16xi32>
    %shift_right_arithmetic3A_394 = arith.shrsi %get3A_391, %shift_right_arithmetic3A_393 : vector<16xi32>
    %shift_left3A_395 = arith.constant 12 : i32
    %shift_left3A_396 = vector.broadcast %shift_left3A_395 : i32 to vector<16xi32>
    %shift_left3A_397 = arith.shli %shift_right_arithmetic3A_394, %shift_left3A_396 : vector<16xi32>
    %and3A_398 = arith.constant 4095 : i32
    %and3A_399 = vector.broadcast %and3A_398 : i32 to vector<16xi32>
    %and3A_400 = arith.andi %get3A_391, %and3A_399 : vector<16xi32>
    %add3A_401 = arith.addi %shift_left3A_397, %and3A_400 : vector<16xi32>
    %swap3A_402 = arith.constant 368 : index
    %swap3A_403 = tpu.vector_load %arg6[%swap3A_402] {strides = array<i32>} : memref<512xi32, #tpu.memory_space<vmem>>, vector<16xi32>,
    %swap3A_404 = vector.shape_cast %swap3A_403 : vector<16xi32> to vector<16xi32>
    %swap3A_405 = vector.shape_cast %add3A_401 : vector<16xi32> to vector<16xi32>
    tpu.vector_store %arg6[%swap3A_402], %swap3A_405 {strides = array<i32>} : memref<512xi32, #tpu.memory_space<vmem>>, vector<16xi32>,
    %get3A_406 = arith.constant 384 : index
    %get3A_407 = tpu.vector_load %arg5[%get3A_406] {strides = array<i32>} : memref<512xi32, #tpu.memory_space<vmem>>, vector<16xi32>,
    %get3A_408 = vector.shape_cast %get3A_407 : vector<16xi32> to vector<16xi32>
    %shift_right_arithmetic3A_409 = arith.constant 15 : i32
    %shift_right_arithmetic3A_410 = vector.broadcast %shift_right_arithmetic3A_409 : i32 to vector<16xi32>
    %shift_right_arithmetic3A_411 = arith.shrsi %get3A_408, %shift_right_arithmetic3A_410 : vector<16xi32>
    %shift_left3A_412 = arith.constant 12 : i32
    %shift_left3A_413 = vector.broadcast %shift_left3A_412 : i32 to vector<16xi32>
    %shift_left3A_414 = arith.shli %shift_right_arithmetic3A_411, %shift_left3A_413 : vector<16xi32>
    %and3A_415 = arith.constant 4095 : i32
    %and3A_416 = vector.broadcast %and3A_415 : i32 to vector<16xi32>
    %and3A_417 = arith.andi %get3A_408, %and3A_416 : vector<16xi32>
    %add3A_418 = arith.addi %shift_left3A_414, %and3A_417 : vector<16xi32>
    %swap3A_419 = arith.constant 384 : index
    %swap3A_420 = tpu.vector_load %arg6[%swap3A_419] {strides = array<i32>} : memref<512xi32, #tpu.memory_space<vmem>>, vector<16xi32>,
    %swap3A_421 = vector.shape_cast %swap3A_420 : vector<16xi32> to vector<16xi32>
    %swap3A_422 = vector.shape_cast %add3A_418 : vector<16xi32> to vector<16xi32>
    tpu.vector_store %arg6[%swap3A_419], %swap3A_422 {strides = array<i32>} : memref<512xi32, #tpu.memory_space<vmem>>, vector<16xi32>,
    %get3A_423 = arith.constant 400 : index
    %get3A_424 = tpu.vector_load %arg5[%get3A_423] {strides = array<i32>} : memref<512xi32, #tpu.memory_space<vmem>>, vector<16xi32>,
    %get3A_425 = vector.shape_cast %get3A_424 : vector<16xi32> to vector<16xi32>
    %shift_right_arithmetic3A_426 = arith.constant 15 : i32
    %shift_right_arithmetic3A_427 = vector.broadcast %shift_right_arithmetic3A_426 : i32 to vector<16xi32>
    %shift_right_arithmetic3A_428 = arith.shrsi %get3A_425, %shift_right_arithmetic3A_427 : vector<16xi32>
    %shift_left3A_429 = arith.constant 12 : i32
    %shift_left3A_430 = vector.broadcast %shift_left3A_429 : i32 to vector<16xi32>
    %shift_left3A_431 = arith.shli %shift_right_arithmetic3A_428, %shift_left3A_430 : vector<16xi32>
    %and3A_432 = arith.constant 4095 : i32
    %and3A_433 = vector.broadcast %and3A_432 : i32 to vector<16xi32>
    %and3A_434 = arith.andi %get3A_425, %and3A_433 : vector<16xi32>
    %add3A_435 = arith.addi %shift_left3A_431, %and3A_434 : vector<16xi32>
    %swap3A_436 = arith.constant 400 : index
    %swap3A_437 = tpu.vector_load %arg6[%swap3A_436] {strides = array<i32>} : memref<512xi32, #tpu.memory_space<vmem>>, vector<16xi32>,
    %swap3A_438 = vector.shape_cast %swap3A_437 : vector<16xi32> to vector<16xi32>
    %swap3A_439 = vector.shape_cast %add3A_435 : vector<16xi32> to vector<16xi32>
    tpu.vector_store %arg6[%swap3A_436], %swap3A_439 {strides = array<i32>} : memref<512xi32, #tpu.memory_space<vmem>>, vector<16xi32>,
    %get3A_440 = arith.constant 416 : index
    %get3A_441 = tpu.vector_load %arg5[%get3A_440] {strides = array<i32>} : memref<512xi32, #tpu.memory_space<vmem>>, vector<16xi32>,
    %get3A_442 = vector.shape_cast %get3A_441 : vector<16xi32> to vector<16xi32>
    %shift_right_arithmetic3A_443 = arith.constant 15 : i32
    %shift_right_arithmetic3A_444 = vector.broadcast %shift_right_arithmetic3A_443 : i32 to vector<16xi32>
    %shift_right_arithmetic3A_445 = arith.shrsi %get3A_442, %shift_right_arithmetic3A_444 : vector<16xi32>
    %shift_left3A_446 = arith.constant 12 : i32
    %shift_left3A_447 = vector.broadcast %shift_left3A_446 : i32 to vector<16xi32>
    %shift_left3A_448 = arith.shli %shift_right_arithmetic3A_445, %shift_left3A_447 : vector<16xi32>
    %and3A_449 = arith.constant 4095 : i32
    %and3A_450 = vector.broadcast %and3A_449 : i32 to vector<16xi32>
    %and3A_451 = arith.andi %get3A_442, %and3A_450 : vector<16xi32>
    %add3A_452 = arith.addi %shift_left3A_448, %and3A_451 : vector<16xi32>
    %swap3A_453 = arith.constant 416 : index
    %swap3A_454 = tpu.vector_load %arg6[%swap3A_453] {strides = array<i32>} : memref<512xi32, #tpu.memory_space<vmem>>, vector<16xi32>,
    %swap3A_455 = vector.shape_cast %swap3A_454 : vector<16xi32> to vector<16xi32>
    %swap3A_456 = vector.shape_cast %add3A_452 : vector<16xi32> to vector<16xi32>
    tpu.vector_store %arg6[%swap3A_453], %swap3A_456 {strides = array<i32>} : memref<512xi32, #tpu.memory_space<vmem>>, vector<16xi32>,
    %get3A_457 = arith.constant 432 : index
    %get3A_458 = tpu.vector_load %arg5[%get3A_457] {strides = array<i32>} : memref<512xi32, #tpu.memory_space<vmem>>, vector<16xi32>,
    %get3A_459 = vector.shape_cast %get3A_458 : vector<16xi32> to vector<16xi32>
    %shift_right_arithmetic3A_460 = arith.constant 15 : i32
    %shift_right_arithmetic3A_461 = vector.broadcast %shift_right_arithmetic3A_460 : i32 to vector<16xi32>
    %shift_right_arithmetic3A_462 = arith.shrsi %get3A_459, %shift_right_arithmetic3A_461 : vector<16xi32>
    %shift_left3A_463 = arith.constant 12 : i32
    %shift_left3A_464 = vector.broadcast %shift_left3A_463 : i32 to vector<16xi32>
    %shift_left3A_465 = arith.shli %shift_right_arithmetic3A_462, %shift_left3A_464 : vector<16xi32>
    %and3A_466 = arith.constant 4095 : i32
    %and3A_467 = vector.broadcast %and3A_466 : i32 to vector<16xi32>
    %and3A_468 = arith.andi %get3A_459, %and3A_467 : vector<16xi32>
    %add3A_469 = arith.addi %shift_left3A_465, %and3A_468 : vector<16xi32>
    %swap3A_470 = arith.constant 432 : index
    %swap3A_471 = tpu.vector_load %arg6[%swap3A_470] {strides = array<i32>} : memref<512xi32, #tpu.memory_space<vmem>>, vector<16xi32>,
    %swap3A_472 = vector.shape_cast %swap3A_471 : vector<16xi32> to vector<16xi32>
    %swap3A_473 = vector.shape_cast %add3A_469 : vector<16xi32> to vector<16xi32>
    tpu.vector_store %arg6[%swap3A_470], %swap3A_473 {strides = array<i32>} : memref<512xi32, #tpu.memory_space<vmem>>, vector<16xi32>,
    %get3A_474 = arith.constant 448 : index
    %get3A_475 = tpu.vector_load %arg5[%get3A_474] {strides = array<i32>} : memref<512xi32, #tpu.memory_space<vmem>>, vector<16xi32>,
    %get3A_476 = vector.shape_cast %get3A_475 : vector<16xi32> to vector<16xi32>
    %shift_right_arithmetic3A_477 = arith.constant 15 : i32
    %shift_right_arithmetic3A_478 = vector.broadcast %shift_right_arithmetic3A_477 : i32 to vector<16xi32>
    %shift_right_arithmetic3A_479 = arith.shrsi %get3A_476, %shift_right_arithmetic3A_478 : vector<16xi32>
    %shift_left3A_480 = arith.constant 12 : i32
    %shift_left3A_481 = vector.broadcast %shift_left3A_480 : i32 to vector<16xi32>
    %shift_left3A_482 = arith.shli %shift_right_arithmetic3A_479, %shift_left3A_481 : vector<16xi32>
    %and3A_483 = arith.constant 4095 : i32
    %and3A_484 = vector.broadcast %and3A_483 : i32 to vector<16xi32>
    %and3A_485 = arith.andi %get3A_476, %and3A_484 : vector<16xi32>
    %add3A_486 = arith.addi %shift_left3A_482, %and3A_485 : vector<16xi32>
    %swap3A_487 = arith.constant 448 : index
    %swap3A_488 = tpu.vector_load %arg6[%swap3A_487] {strides = array<i32>} : memref<512xi32, #tpu.memory_space<vmem>>, vector<16xi32>,
    %swap3A_489 = vector.shape_cast %swap3A_488 : vector<16xi32> to vector<16xi32>
    %swap3A_490 = vector.shape_cast %add3A_486 : vector<16xi32> to vector<16xi32>
    tpu.vector_store %arg6[%swap3A_487], %swap3A_490 {strides = array<i32>} : memref<512xi32, #tpu.memory_space<vmem>>, vector<16xi32>,
    %get3A_491 = arith.constant 464 : index
    %get3A_492 = tpu.vector_load %arg5[%get3A_491] {strides = array<i32>} : memref<512xi32, #tpu.memory_space<vmem>>, vector<16xi32>,
    %get3A_493 = vector.shape_cast %get3A_492 : vector<16xi32> to vector<16xi32>
    %shift_right_arithmetic3A_494 = arith.constant 15 : i32
    %shift_right_arithmetic3A_495 = vector.broadcast %shift_right_arithmetic3A_494 : i32 to vector<16xi32>
    %shift_right_arithmetic3A_496 = arith.shrsi %get3A_493, %shift_right_arithmetic3A_495 : vector<16xi32>
    %shift_left3A_497 = arith.constant 12 : i32
    %shift_left3A_498 = vector.broadcast %shift_left3A_497 : i32 to vector<16xi32>
    %shift_left3A_499 = arith.shli %shift_right_arithmetic3A_496, %shift_left3A_498 : vector<16xi32>
    %and3A_500 = arith.constant 4095 : i32
    %and3A_501 = vector.broadcast %and3A_500 : i32 to vector<16xi32>
    %and3A_502 = arith.andi %get3A_493, %and3A_501 : vector<16xi32>
    %add3A_503 = arith.addi %shift_left3A_499, %and3A_502 : vector<16xi32>
    %swap3A_504 = arith.constant 464 : index
    %swap3A_505 = tpu.vector_load %arg6[%swap3A_504] {strides = array<i32>} : memref<512xi32, #tpu.memory_space<vmem>>, vector<16xi32>,
    %swap3A_506 = vector.shape_cast %swap3A_505 : vector<16xi32> to vector<16xi32>
    %swap3A_507 = vector.shape_cast %add3A_503 : vector<16xi32> to vector<16xi32>
    tpu.vector_store %arg6[%swap3A_504], %swap3A_507 {strides = array<i32>} : memref<512xi32, #tpu.memory_space<vmem>>, vector<16xi32>,
    %get3A_508 = arith.constant 480 : index
    %get3A_509 = tpu.vector_load %arg5[%get3A_508] {strides = array<i32>} : memref<512xi32, #tpu.memory_space<vmem>>, vector<16xi32>,
    %get3A_510 = vector.shape_cast %get3A_509 : vector<16xi32> to vector<16xi32>
    %shift_right_arithmetic3A_511 = arith.constant 15 : i32
    %shift_right_arithmetic3A_512 = vector.broadcast %shift_right_arithmetic3A_511 : i32 to vector<16xi32>
    %shift_right_arithmetic3A_513 = arith.shrsi %get3A_510, %shift_right_arithmetic3A_512 : vector<16xi32>
    %shift_left3A_514 = arith.constant 12 : i32
    %shift_left3A_515 = vector.broadcast %shift_left3A_514 : i32 to vector<16xi32>
    %shift_left3A_516 = arith.shli %shift_right_arithmetic3A_513, %shift_left3A_515 : vector<16xi32>
    %and3A_517 = arith.constant 4095 : i32
    %and3A_518 = vector.broadcast %and3A_517 : i32 to vector<16xi32>
    %and3A_519 = arith.andi %get3A_510, %and3A_518 : vector<16xi32>
    %add3A_520 = arith.addi %shift_left3A_516, %and3A_519 : vector<16xi32>
    %swap3A_521 = arith.constant 480 : index
    %swap3A_522 = tpu.vector_load %arg6[%swap3A_521] {strides = array<i32>} : memref<512xi32, #tpu.memory_space<vmem>>, vector<16xi32>,
    %swap3A_523 = vector.shape_cast %swap3A_522 : vector<16xi32> to vector<16xi32>
    %swap3A_524 = vector.shape_cast %add3A_520 : vector<16xi32> to vector<16xi32>
    tpu.vector_store %arg6[%swap3A_521], %swap3A_524 {strides = array<i32>} : memref<512xi32, #tpu.memory_space<vmem>>, vector<16xi32>,
    %get3A_525 = arith.constant 496 : index
    %get3A_526 = tpu.vector_load %arg5[%get3A_525] {strides = array<i32>} : memref<512xi32, #tpu.memory_space<vmem>>, vector<16xi32>,
    %get3A_527 = vector.shape_cast %get3A_526 : vector<16xi32> to vector<16xi32>
    %shift_right_arithmetic3A_528 = arith.constant 15 : i32
    %shift_right_arithmetic3A_529 = vector.broadcast %shift_right_arithmetic3A_528 : i32 to vector<16xi32>
    %shift_right_arithmetic3A_530 = arith.shrsi %get3A_527, %shift_right_arithmetic3A_529 : vector<16xi32>
    %shift_left3A_531 = arith.constant 12 : i32
    %shift_left3A_532 = vector.broadcast %shift_left3A_531 : i32 to vector<16xi32>
    %shift_left3A_533 = arith.shli %shift_right_arithmetic3A_530, %shift_left3A_532 : vector<16xi32>
    %and3A_534 = arith.constant 4095 : i32
    %and3A_535 = vector.broadcast %and3A_534 : i32 to vector<16xi32>
    %and3A_536 = arith.andi %get3A_527, %and3A_535 : vector<16xi32>
    %add3A_537 = arith.addi %shift_left3A_533, %and3A_536 : vector<16xi32>
    %swap3A_538 = arith.constant 496 : index
    %swap3A_539 = tpu.vector_load %arg6[%swap3A_538] {strides = array<i32>} : memref<512xi32, #tpu.memory_space<vmem>>, vector<16xi32>,
    %swap3A_540 = vector.shape_cast %swap3A_539 : vector<16xi32> to vector<16xi32>
    %swap3A_541 = vector.shape_cast %add3A_537 : vector<16xi32> to vector<16xi32>
    tpu.vector_store %arg6[%swap3A_538], %swap3A_541 {strides = array<i32>} : memref<512xi32, #tpu.memory_space<vmem>>, vector<16xi32>,
    %dma_start3A = arith.constant 0 : i32
    %dma_start3A_542 = arith.constant 0 : i32
    %dma_start3A_543 = tpu.memref_slice %arg3[%dma_start3A, %dma_start3A_542] : memref<126976x128xf32, #tpu.memory_space<hbm>> -> memref<126976x128xf32, #tpu.memory_space<hbm>>
    tpu.enqueue_indirect_dma source(%dma_start3A_543 : memref<126976x128xf32, #tpu.memory_space<hbm>>) target(%arg7 : memref<512x128xf32, #tpu.memory_space<vmem>>) offsets(%arg6 : memref<512xi32, #tpu.memory_space<vmem>>) semaphore(%arg8 : memref<!tpu.dma_semaphore, #tpu.memory_space<semaphore_mem>>)
    %dma_wait3A = arith.constant 0 : i32
    %dma_wait3A_544 = arith.constant 0 : i32
    %dma_wait3A_545 = tpu.memref_slice %arg3[%dma_wait3A, %dma_wait3A_544] : memref<126976x128xf32, #tpu.memory_space<hbm>> -> memref<126976x128xf32, #tpu.memory_space<hbm>>
    tpu.wait_indirect_dma semaphore(%arg8 : memref<!tpu.dma_semaphore, #tpu.memory_space<semaphore_mem>>) src(%dma_wait3A_545 : memref<126976x128xf32, #tpu.memory_space<hbm>>) dst(%arg7 : memref<512x128xf32, #tpu.memory_space<vmem>>)
    "tpu.region"() ({
      %run_scoped3A = tpu.sem_alloc : memref<!tpu.dma_semaphore, #tpu.memory_space<semaphore_mem>>
      %dma_start3A_546 = arith.constant 0 : i32
      %dma_start3A_547 = tpu.memref_slice %arg4[%mul3A_2, %dma_start3A_546] : memref<16384x128xf32, #tpu.memory_space<hbm>> -> memref<512x128xf32, #tpu.memory_space<hbm>>
      %dma_start3A_548 = arith.constant 0 : i32
      %dma_start3A_549 = tpu.memref_slice %arg4[%mul3A_2, %dma_start3A_548] : memref<16384x128xf32, #tpu.memory_space<hbm>> -> memref<512x128xf32, #tpu.memory_space<hbm>>
      tpu.enqueue_dma source(%arg7 : memref<512x128xf32, #tpu.memory_space<vmem>>) target(%dma_start3A_549 : memref<512x128xf32, #tpu.memory_space<hbm>>) target_semaphore(%run_scoped3A : memref<!tpu.dma_semaphore, #tpu.memory_space<semaphore_mem>>)
      %dma_wait3A_550 = arith.constant 0 : i32
      %dma_wait3A_551 = tpu.memref_slice %arg4[%mul3A_2, %dma_wait3A_550] : memref<16384x128xf32, #tpu.memory_space<hbm>> -> memref<512x128xf32, #tpu.memory_space<hbm>>
      %dma_wait3A_552 = arith.constant 0 : i32
      %dma_wait3A_553 = tpu.memref_slice %arg4[%mul3A_2, %dma_wait3A_552] : memref<16384x128xf32, #tpu.memory_space<hbm>> -> memref<512x128xf32, #tpu.memory_space<hbm>>
      tpu.wait_dma2 semaphore(%run_scoped3A : memref<!tpu.dma_semaphore, #tpu.memory_space<semaphore_mem>>) src(%arg7 : memref<512x128xf32, #tpu.memory_space<vmem>>) dst(%dma_wait3A_553 : memref<512x128xf32, #tpu.memory_space<hbm>>)
      tpu.yield
    }) : () -> ()
    return
  }
}

module attributes {stable_mosaic.version = 14 : i64} {
  func.func @_repack_body(%arg0: i32, %arg1: memref<32x32768xf32, #tpu.memory_space<vmem>>, %arg2: memref<4096x128xf32, #tpu.memory_space<vmem>>) attributes {dimension_semantics = [#tpu.dimension_semantics<arbitrary>], iteration_bounds = array<i64: 31>, scalar_prefetch = 0 : i64, scratch_operands = 0 : i64, tpu.core_type = #tpu.core_type<tc>, window_params = [{transform_indices = @transform_0, window_bounds = array<i64: 32, 32768>}, {transform_indices = @transform_1, window_bounds = array<i64: 4096, 128>}]} {
    %iota3A = tpu.iota {dimensions = array<i32: 0>} : vector<32x32xi32>
    %iota3A_0 = tpu.iota {dimensions = array<i32: 1>} : vector<32x32xi32>
    %eq3A = arith.cmpi eq, %iota3A, %iota3A_0 : vector<32x32xi32>
    %convert_element_type3A = arith.extui %eq3A : vector<32x32xi1> to vector<32x32xi32>
    %convert_element_type3A_1 = arith.sitofp %convert_element_type3A : vector<32x32xi32> to vector<32x32xf32>
    %convert_element_type3A_2 = arith.truncf %convert_element_type3A_1 : vector<32x32xf32> to vector<32x32xbf16>
    %get3A = arith.constant 0 : index
    %get3A_3 = arith.constant 0 : index
    %get3A_4 = vector.load %arg1[%get3A, %get3A_3] : memref<32x32768xf32, #tpu.memory_space<vmem>>, vector<32x32768xf32>
    %convert_element_type3A_5 = arith.truncf %get3A_4 : vector<32x32768xf32> to vector<32x32768xbf16>
    %slice3A = vector.extract_strided_slice %convert_element_type3A_5 {offsets = [0, 0], sizes = [32, 4096], strides = [1, 1]} : vector<32x32768xbf16> to vector<32x4096xbf16>
    %dot_general3A = arith.constant dense<0.000000e+00> : vector<4096x32xf32>
    %dot_general3A_6 = tpu.matmul %slice3A, %convert_element_type3A_2, %dot_general3A {dimension_numbers = #tpu.dot_dimension_numbers<[0], [0], [1], [1], [0, 1, 1, 1], [], []>, transpose_lhs_hint = false} : vector<32x4096xbf16>, vector<32x32xbf16>, vector<4096x32xf32> -> vector<4096x32xf32>
    %convert_element_type3A_7 = arith.truncf %dot_general3A_6 : vector<4096x32xf32> to vector<4096x32xbf16>
    %slice3A_8 = vector.extract_strided_slice %convert_element_type3A_5 {offsets = [0, 16384], sizes = [32, 4096], strides = [1, 1]} : vector<32x32768xbf16> to vector<32x4096xbf16>
    %dot_general3A_9 = arith.constant dense<0.000000e+00> : vector<4096x32xf32>
    %dot_general3A_10 = tpu.matmul %slice3A_8, %convert_element_type3A_2, %dot_general3A_9 {dimension_numbers = #tpu.dot_dimension_numbers<[0], [0], [1], [1], [0, 1, 1, 1], [], []>, transpose_lhs_hint = false} : vector<32x4096xbf16>, vector<32x32xbf16>, vector<4096x32xf32> -> vector<4096x32xf32>
    %convert_element_type3A_11 = arith.truncf %dot_general3A_10 : vector<4096x32xf32> to vector<4096x32xbf16>
    %bitcast_convert_type3A = tpu.bitcast %convert_element_type3A_7 : vector<4096x32xbf16> -> vector<4096x32xi16>
    %convert_element_type3A_12 = arith.extui %bitcast_convert_type3A : vector<4096x32xi16> to vector<4096x32xi32>
    %bitcast_convert_type3A_13 = tpu.bitcast %convert_element_type3A_11 : vector<4096x32xbf16> -> vector<4096x32xi16>
    %convert_element_type3A_14 = arith.extui %bitcast_convert_type3A_13 : vector<4096x32xi16> to vector<4096x32xi32>
    %shift_left3A = arith.constant 16 : i32
    %shift_left3A_15 = vector.broadcast %shift_left3A : i32 to vector<4096x32xi32>
    %shift_left3A_16 = arith.shli %convert_element_type3A_14, %shift_left3A_15 : vector<4096x32xi32>
    %or3A = arith.ori %shift_left3A_16, %convert_element_type3A_12 : vector<4096x32xi32>
    %bitcast_convert_type3A_17 = tpu.bitcast %or3A : vector<4096x32xi32> -> vector<4096x32xf32>
    %swap3A = arith.constant 0 : index
    %swap3A_18 = arith.constant 0 : index
    %swap3A_19 = vector.load %arg2[%swap3A, %swap3A_18] : memref<4096x128xf32, #tpu.memory_space<vmem>>, vector<4096x32xf32>
    tpu.vector_store %arg2[%swap3A, %swap3A_18], %bitcast_convert_type3A_17 {strides = array<i32>} : memref<4096x128xf32, #tpu.memory_space<vmem>>, vector<4096x32xf32>,
    %slice3A_20 = vector.extract_strided_slice %convert_element_type3A_5 {offsets = [0, 4096], sizes = [32, 4096], strides = [1, 1]} : vector<32x32768xbf16> to vector<32x4096xbf16>
    %dot_general3A_21 = arith.constant dense<0.000000e+00> : vector<4096x32xf32>
    %dot_general3A_22 = tpu.matmul %slice3A_20, %convert_element_type3A_2, %dot_general3A_21 {dimension_numbers = #tpu.dot_dimension_numbers<[0], [0], [1], [1], [0, 1, 1, 1], [], []>, transpose_lhs_hint = false} : vector<32x4096xbf16>, vector<32x32xbf16>, vector<4096x32xf32> -> vector<4096x32xf32>
    %convert_element_type3A_23 = arith.truncf %dot_general3A_22 : vector<4096x32xf32> to vector<4096x32xbf16>
    %slice3A_24 = vector.extract_strided_slice %convert_element_type3A_5 {offsets = [0, 20480], sizes = [32, 4096], strides = [1, 1]} : vector<32x32768xbf16> to vector<32x4096xbf16>
    %dot_general3A_25 = arith.constant dense<0.000000e+00> : vector<4096x32xf32>
    %dot_general3A_26 = tpu.matmul %slice3A_24, %convert_element_type3A_2, %dot_general3A_25 {dimension_numbers = #tpu.dot_dimension_numbers<[0], [0], [1], [1], [0, 1, 1, 1], [], []>, transpose_lhs_hint = false} : vector<32x4096xbf16>, vector<32x32xbf16>, vector<4096x32xf32> -> vector<4096x32xf32>
    %convert_element_type3A_27 = arith.truncf %dot_general3A_26 : vector<4096x32xf32> to vector<4096x32xbf16>
    %bitcast_convert_type3A_28 = tpu.bitcast %convert_element_type3A_23 : vector<4096x32xbf16> -> vector<4096x32xi16>
    %convert_element_type3A_29 = arith.extui %bitcast_convert_type3A_28 : vector<4096x32xi16> to vector<4096x32xi32>
    %bitcast_convert_type3A_30 = tpu.bitcast %convert_element_type3A_27 : vector<4096x32xbf16> -> vector<4096x32xi16>
    %convert_element_type3A_31 = arith.extui %bitcast_convert_type3A_30 : vector<4096x32xi16> to vector<4096x32xi32>
    %shift_left3A_32 = arith.constant 16 : i32
    %shift_left3A_33 = vector.broadcast %shift_left3A_32 : i32 to vector<4096x32xi32>
    %shift_left3A_34 = arith.shli %convert_element_type3A_31, %shift_left3A_33 : vector<4096x32xi32>
    %or3A_35 = arith.ori %shift_left3A_34, %convert_element_type3A_29 : vector<4096x32xi32>
    %bitcast_convert_type3A_36 = tpu.bitcast %or3A_35 : vector<4096x32xi32> -> vector<4096x32xf32>
    %swap3A_37 = arith.constant 0 : index
    %swap3A_38 = arith.constant 32 : index
    %swap3A_39 = vector.load %arg2[%swap3A_37, %swap3A_38] : memref<4096x128xf32, #tpu.memory_space<vmem>>, vector<4096x32xf32>
    tpu.vector_store %arg2[%swap3A_37, %swap3A_38], %bitcast_convert_type3A_36 {strides = array<i32>} : memref<4096x128xf32, #tpu.memory_space<vmem>>, vector<4096x32xf32>,
    %slice3A_40 = vector.extract_strided_slice %convert_element_type3A_5 {offsets = [0, 8192], sizes = [32, 4096], strides = [1, 1]} : vector<32x32768xbf16> to vector<32x4096xbf16>
    %dot_general3A_41 = arith.constant dense<0.000000e+00> : vector<4096x32xf32>
    %dot_general3A_42 = tpu.matmul %slice3A_40, %convert_element_type3A_2, %dot_general3A_41 {dimension_numbers = #tpu.dot_dimension_numbers<[0], [0], [1], [1], [0, 1, 1, 1], [], []>, transpose_lhs_hint = false} : vector<32x4096xbf16>, vector<32x32xbf16>, vector<4096x32xf32> -> vector<4096x32xf32>
    %convert_element_type3A_43 = arith.truncf %dot_general3A_42 : vector<4096x32xf32> to vector<4096x32xbf16>
    %slice3A_44 = vector.extract_strided_slice %convert_element_type3A_5 {offsets = [0, 24576], sizes = [32, 4096], strides = [1, 1]} : vector<32x32768xbf16> to vector<32x4096xbf16>
    %dot_general3A_45 = arith.constant dense<0.000000e+00> : vector<4096x32xf32>
    %dot_general3A_46 = tpu.matmul %slice3A_44, %convert_element_type3A_2, %dot_general3A_45 {dimension_numbers = #tpu.dot_dimension_numbers<[0], [0], [1], [1], [0, 1, 1, 1], [], []>, transpose_lhs_hint = false} : vector<32x4096xbf16>, vector<32x32xbf16>, vector<4096x32xf32> -> vector<4096x32xf32>
    %convert_element_type3A_47 = arith.truncf %dot_general3A_46 : vector<4096x32xf32> to vector<4096x32xbf16>
    %bitcast_convert_type3A_48 = tpu.bitcast %convert_element_type3A_43 : vector<4096x32xbf16> -> vector<4096x32xi16>
    %convert_element_type3A_49 = arith.extui %bitcast_convert_type3A_48 : vector<4096x32xi16> to vector<4096x32xi32>
    %bitcast_convert_type3A_50 = tpu.bitcast %convert_element_type3A_47 : vector<4096x32xbf16> -> vector<4096x32xi16>
    %convert_element_type3A_51 = arith.extui %bitcast_convert_type3A_50 : vector<4096x32xi16> to vector<4096x32xi32>
    %shift_left3A_52 = arith.constant 16 : i32
    %shift_left3A_53 = vector.broadcast %shift_left3A_52 : i32 to vector<4096x32xi32>
    %shift_left3A_54 = arith.shli %convert_element_type3A_51, %shift_left3A_53 : vector<4096x32xi32>
    %or3A_55 = arith.ori %shift_left3A_54, %convert_element_type3A_49 : vector<4096x32xi32>
    %bitcast_convert_type3A_56 = tpu.bitcast %or3A_55 : vector<4096x32xi32> -> vector<4096x32xf32>
    %swap3A_57 = arith.constant 0 : index
    %swap3A_58 = arith.constant 64 : index
    %swap3A_59 = vector.load %arg2[%swap3A_57, %swap3A_58] : memref<4096x128xf32, #tpu.memory_space<vmem>>, vector<4096x32xf32>
    tpu.vector_store %arg2[%swap3A_57, %swap3A_58], %bitcast_convert_type3A_56 {strides = array<i32>} : memref<4096x128xf32, #tpu.memory_space<vmem>>, vector<4096x32xf32>,
    %slice3A_60 = vector.extract_strided_slice %convert_element_type3A_5 {offsets = [0, 12288], sizes = [32, 4096], strides = [1, 1]} : vector<32x32768xbf16> to vector<32x4096xbf16>
    %dot_general3A_61 = arith.constant dense<0.000000e+00> : vector<4096x32xf32>
    %dot_general3A_62 = tpu.matmul %slice3A_60, %convert_element_type3A_2, %dot_general3A_61 {dimension_numbers = #tpu.dot_dimension_numbers<[0], [0], [1], [1], [0, 1, 1, 1], [], []>, transpose_lhs_hint = false} : vector<32x4096xbf16>, vector<32x32xbf16>, vector<4096x32xf32> -> vector<4096x32xf32>
    %convert_element_type3A_63 = arith.truncf %dot_general3A_62 : vector<4096x32xf32> to vector<4096x32xbf16>
    %slice3A_64 = vector.extract_strided_slice %convert_element_type3A_5 {offsets = [0, 28672], sizes = [32, 4096], strides = [1, 1]} : vector<32x32768xbf16> to vector<32x4096xbf16>
    %dot_general3A_65 = arith.constant dense<0.000000e+00> : vector<4096x32xf32>
    %dot_general3A_66 = tpu.matmul %slice3A_64, %convert_element_type3A_2, %dot_general3A_65 {dimension_numbers = #tpu.dot_dimension_numbers<[0], [0], [1], [1], [0, 1, 1, 1], [], []>, transpose_lhs_hint = false} : vector<32x4096xbf16>, vector<32x32xbf16>, vector<4096x32xf32> -> vector<4096x32xf32>
    %convert_element_type3A_67 = arith.truncf %dot_general3A_66 : vector<4096x32xf32> to vector<4096x32xbf16>
    %bitcast_convert_type3A_68 = tpu.bitcast %convert_element_type3A_63 : vector<4096x32xbf16> -> vector<4096x32xi16>
    %convert_element_type3A_69 = arith.extui %bitcast_convert_type3A_68 : vector<4096x32xi16> to vector<4096x32xi32>
    %bitcast_convert_type3A_70 = tpu.bitcast %convert_element_type3A_67 : vector<4096x32xbf16> -> vector<4096x32xi16>
    %convert_element_type3A_71 = arith.extui %bitcast_convert_type3A_70 : vector<4096x32xi16> to vector<4096x32xi32>
    %shift_left3A_72 = arith.constant 16 : i32
    %shift_left3A_73 = vector.broadcast %shift_left3A_72 : i32 to vector<4096x32xi32>
    %shift_left3A_74 = arith.shli %convert_element_type3A_71, %shift_left3A_73 : vector<4096x32xi32>
    %or3A_75 = arith.ori %shift_left3A_74, %convert_element_type3A_69 : vector<4096x32xi32>
    %bitcast_convert_type3A_76 = tpu.bitcast %or3A_75 : vector<4096x32xi32> -> vector<4096x32xf32>
    %swap3A_77 = arith.constant 0 : index
    %swap3A_78 = arith.constant 96 : index
    %swap3A_79 = vector.load %arg2[%swap3A_77, %swap3A_78] : memref<4096x128xf32, #tpu.memory_space<vmem>>, vector<4096x32xf32>
    tpu.vector_store %arg2[%swap3A_77, %swap3A_78], %bitcast_convert_type3A_76 {strides = array<i32>} : memref<4096x128xf32, #tpu.memory_space<vmem>>, vector<4096x32xf32>,
    return
  }
  func.func @transform_0(%arg0: i32) -> (i32, i32) {
    %c0_i32 = arith.constant 0 : i32
    %c0_i32_0 = arith.constant 0 : i32
    return %c0_i32, %arg0 : i32, i32
  }
  func.func @transform_1(%arg0: i32) -> (i32, i32) {
    %c0_i32 = arith.constant 0 : i32
    %c0_i32_0 = arith.constant 0 : i32
    return %arg0, %c0_i32 : i32, i32
  }
}

module attributes {stable_mosaic.version = 14 : i64} {
  func.func @_mlp_body(%arg0: i32, %arg1: memref<4096x128xf32, #tpu.memory_space<vmem>>, %arg2: memref<1x4096xi32, #tpu.memory_space<vmem>>, %arg3: memref<1x4096xi32, #tpu.memory_space<vmem>>, %arg4: memref<1x4096xi32, #tpu.memory_space<vmem>>, %arg5: memref<1x4096xf32, #tpu.memory_space<vmem>>, %arg6: memref<7x32xf32, #tpu.memory_space<vmem>>, %arg7: memref<24x32xf32, #tpu.memory_space<vmem>>, %arg8: memref<97x256xf32, #tpu.memory_space<vmem>>, %arg9: memref<1x256xf32, #tpu.memory_space<vmem>>, %arg10: memref<128x256xf32, #tpu.memory_space<vmem>>, %arg11: memref<1x128xf32, #tpu.memory_space<vmem>>, %arg12: memref<4x128xf32, #tpu.memory_space<vmem>>, %arg13: memref<1x4xf32, #tpu.memory_space<vmem>>, %arg14: memref<4096x4xf32, #tpu.memory_space<vmem>>) attributes {dimension_semantics = [#tpu.dimension_semantics<arbitrary>], iteration_bounds = array<i64: 4>, scalar_prefetch = 0 : i64, scratch_operands = 0 : i64, tpu.core_type = #tpu.core_type<tc>, window_params = [{transform_indices = @transform_0, window_bounds = array<i64: 4096, 128>}, {transform_indices = @transform_1, window_bounds = array<i64: 1, 4096>}, {transform_indices = @transform_2, window_bounds = array<i64: 1, 4096>}, {transform_indices = @transform_3, window_bounds = array<i64: 1, 4096>}, {transform_indices = @transform_4, window_bounds = array<i64: 1, 4096>}, {pipeline_mode = #tpu.pipeline_mode<synchronous>, transform_indices = @transform_5, window_bounds = array<i64: 7, 32>}, {pipeline_mode = #tpu.pipeline_mode<synchronous>, transform_indices = @transform_6, window_bounds = array<i64: 24, 32>}, {pipeline_mode = #tpu.pipeline_mode<synchronous>, transform_indices = @transform_7, window_bounds = array<i64: 97, 256>}, {pipeline_mode = #tpu.pipeline_mode<synchronous>, transform_indices = @transform_8, window_bounds = array<i64: 1, 256>}, {pipeline_mode = #tpu.pipeline_mode<synchronous>, transform_indices = @transform_9, window_bounds = array<i64: 128, 256>}, {pipeline_mode = #tpu.pipeline_mode<synchronous>, transform_indices = @transform_10, window_bounds = array<i64: 1, 128>}, {pipeline_mode = #tpu.pipeline_mode<synchronous>, transform_indices = @transform_11, window_bounds = array<i64: 4, 128>}, {pipeline_mode = #tpu.pipeline_mode<synchronous>, transform_indices = @transform_12, window_bounds = array<i64: 1, 4>}, {transform_indices = @transform_13, window_bounds = array<i64: 4096, 4>}]} {
    %get3A = arith.constant 0 : index
    %get3A_0 = arith.constant 0 : index
    %get3A_1 = vector.load %arg2[%get3A, %get3A_0] : memref<1x4096xi32, #tpu.memory_space<vmem>>, vector<1x4096xi32>
    %transpose3A = tpu.transpose %get3A_1, [1, 0] : vector<1x4096xi32> -> vector<4096x1xi32>
    %shift_right_arithmetic3A = arith.constant 12 : i32
    %shift_right_arithmetic3A_2 = vector.broadcast %shift_right_arithmetic3A : i32 to vector<4096x1xi32>
    %shift_right_arithmetic3A_3 = arith.shrsi %transpose3A, %shift_right_arithmetic3A_2 : vector<4096x1xi32>
    %and3A = arith.constant 7 : i32
    %and3A_4 = vector.broadcast %and3A : i32 to vector<4096x1xi32>
    %and3A_5 = arith.andi %shift_right_arithmetic3A_3, %and3A_4 : vector<4096x1xi32>
    %and3A_6 = arith.constant 3 : i32
    %and3A_7 = vector.broadcast %and3A_6 : i32 to vector<4096x1xi32>
    %and3A_8 = arith.andi %and3A_5, %and3A_7 : vector<4096x1xi32>
    %shift_right_arithmetic3A_9 = arith.constant 2 : i32
    %shift_right_arithmetic3A_10 = vector.broadcast %shift_right_arithmetic3A_9 : i32 to vector<4096x1xi32>
    %shift_right_arithmetic3A_11 = arith.shrsi %and3A_5, %shift_right_arithmetic3A_10 : vector<4096x1xi32>
    %get3A_12 = arith.constant 0 : index
    %get3A_13 = arith.constant 0 : index
    %get3A_14 = vector.load %arg1[%get3A_12, %get3A_13] : memref<4096x128xf32, #tpu.memory_space<vmem>>, vector<4096x128xf32>
    %bitcast_convert_type3A = tpu.bitcast %get3A_14 : vector<4096x128xf32> -> vector<4096x128xi32>
    %eq3A = arith.constant 0 : i32
    %eq3A_15 = vector.broadcast %eq3A : i32 to vector<4096x1xi32>
    %eq3A_16 = arith.cmpi eq, %and3A_8, %eq3A_15 : vector<4096x1xi32>
    %slice3A = vector.extract_strided_slice %bitcast_convert_type3A {offsets = [0, 0], sizes = [4096, 32], strides = [1, 1]} : vector<4096x128xi32> to vector<4096x32xi32>
    %jit3A = arith.constant 0 : i32
    %broadcast_in_dim3A = vector.shape_cast %eq3A_16 : vector<4096x1xi1> to vector<4096x1xi1>
    %broadcast_in_dim3A_17 = vector.broadcast %broadcast_in_dim3A : vector<4096x1xi1> to vector<4096x32xi1>
    %broadcast_in_dim3A_18 = vector.broadcast %jit3A : i32 to vector<4096x32xi32>
    %select_n3A = arith.select %broadcast_in_dim3A_17, %slice3A, %broadcast_in_dim3A_18 : vector<4096x32xi1>, vector<4096x32xi32>
    %eq3A_19 = arith.constant 1 : i32
    %eq3A_20 = vector.broadcast %eq3A_19 : i32 to vector<4096x1xi32>
    %eq3A_21 = arith.cmpi eq, %and3A_8, %eq3A_20 : vector<4096x1xi32>
    %slice3A_22 = vector.extract_strided_slice %bitcast_convert_type3A {offsets = [0, 32], sizes = [4096, 32], strides = [1, 1]} : vector<4096x128xi32> to vector<4096x32xi32>
    %jit3A_23 = arith.constant 0 : i32
    %broadcast_in_dim3A_24 = vector.shape_cast %eq3A_21 : vector<4096x1xi1> to vector<4096x1xi1>
    %broadcast_in_dim3A_25 = vector.broadcast %broadcast_in_dim3A_24 : vector<4096x1xi1> to vector<4096x32xi1>
    %broadcast_in_dim3A_26 = vector.broadcast %jit3A_23 : i32 to vector<4096x32xi32>
    %select_n3A_27 = arith.select %broadcast_in_dim3A_25, %slice3A_22, %broadcast_in_dim3A_26 : vector<4096x32xi1>, vector<4096x32xi32>
    %or3A = arith.ori %select_n3A, %select_n3A_27 : vector<4096x32xi32>
    %eq3A_28 = arith.constant 2 : i32
    %eq3A_29 = vector.broadcast %eq3A_28 : i32 to vector<4096x1xi32>
    %eq3A_30 = arith.cmpi eq, %and3A_8, %eq3A_29 : vector<4096x1xi32>
    %slice3A_31 = vector.extract_strided_slice %bitcast_convert_type3A {offsets = [0, 64], sizes = [4096, 32], strides = [1, 1]} : vector<4096x128xi32> to vector<4096x32xi32>
    %jit3A_32 = arith.constant 0 : i32
    %broadcast_in_dim3A_33 = vector.shape_cast %eq3A_30 : vector<4096x1xi1> to vector<4096x1xi1>
    %broadcast_in_dim3A_34 = vector.broadcast %broadcast_in_dim3A_33 : vector<4096x1xi1> to vector<4096x32xi1>
    %broadcast_in_dim3A_35 = vector.broadcast %jit3A_32 : i32 to vector<4096x32xi32>
    %select_n3A_36 = arith.select %broadcast_in_dim3A_34, %slice3A_31, %broadcast_in_dim3A_35 : vector<4096x32xi1>, vector<4096x32xi32>
    %or3A_37 = arith.ori %or3A, %select_n3A_36 : vector<4096x32xi32>
    %eq3A_38 = arith.constant 3 : i32
    %eq3A_39 = vector.broadcast %eq3A_38 : i32 to vector<4096x1xi32>
    %eq3A_40 = arith.cmpi eq, %and3A_8, %eq3A_39 : vector<4096x1xi32>
    %slice3A_41 = vector.extract_strided_slice %bitcast_convert_type3A {offsets = [0, 96], sizes = [4096, 32], strides = [1, 1]} : vector<4096x128xi32> to vector<4096x32xi32>
    %jit3A_42 = arith.constant 0 : i32
    %broadcast_in_dim3A_43 = vector.shape_cast %eq3A_40 : vector<4096x1xi1> to vector<4096x1xi1>
    %broadcast_in_dim3A_44 = vector.broadcast %broadcast_in_dim3A_43 : vector<4096x1xi1> to vector<4096x32xi1>
    %broadcast_in_dim3A_45 = vector.broadcast %jit3A_42 : i32 to vector<4096x32xi32>
    %select_n3A_46 = arith.select %broadcast_in_dim3A_44, %slice3A_41, %broadcast_in_dim3A_45 : vector<4096x32xi1>, vector<4096x32xi32>
    %or3A_47 = arith.ori %or3A_37, %select_n3A_46 : vector<4096x32xi32>
    %shift_left3A = arith.constant 16 : i32
    %shift_left3A_48 = vector.broadcast %shift_left3A : i32 to vector<4096x32xi32>
    %shift_left3A_49 = arith.shli %or3A_47, %shift_left3A_48 : vector<4096x32xi32>
    %bitcast_convert_type3A_50 = tpu.bitcast %shift_left3A_49 : vector<4096x32xi32> -> vector<4096x32xf32>
    %and3A_51 = arith.constant -65536 : i32
    %and3A_52 = vector.broadcast %and3A_51 : i32 to vector<4096x32xi32>
    %and3A_53 = arith.andi %or3A_47, %and3A_52 : vector<4096x32xi32>
    %bitcast_convert_type3A_54 = tpu.bitcast %and3A_53 : vector<4096x32xi32> -> vector<4096x32xf32>
    %eq3A_55 = arith.constant 1 : i32
    %eq3A_56 = vector.broadcast %eq3A_55 : i32 to vector<4096x1xi32>
    %eq3A_57 = arith.cmpi eq, %shift_right_arithmetic3A_11, %eq3A_56 : vector<4096x1xi32>
    %broadcast_in_dim3A_58 = vector.shape_cast %eq3A_57 : vector<4096x1xi1> to vector<4096x1xi1>
    %broadcast_in_dim3A_59 = vector.broadcast %broadcast_in_dim3A_58 : vector<4096x1xi1> to vector<4096x32xi1>
    %select_n3A_60 = arith.select %broadcast_in_dim3A_59, %bitcast_convert_type3A_54, %bitcast_convert_type3A_50 : vector<4096x32xi1>, vector<4096x32xf32>
    %get3A_61 = arith.constant 0 : index
    %get3A_62 = arith.constant 0 : index
    %get3A_63 = vector.load %arg6[%get3A_61, %get3A_62] : memref<7x32xf32, #tpu.memory_space<vmem>>, vector<7x32xf32>
    %broadcast_in_dim3A_64 = arith.constant 0.000000e+00 : f32
    %broadcast_in_dim3A_65 = vector.broadcast %broadcast_in_dim3A_64 : f32 to vector<25x32xf32>
    %concatenate3A = tpu.concatenate %get3A_63, %broadcast_in_dim3A_65 in 0 : vector<7x32xf32>, vector<25x32xf32> -> vector<32x32xf32>
    %get3A_66 = arith.constant 0 : index
    %get3A_67 = arith.constant 0 : index
    %get3A_68 = vector.load %arg7[%get3A_66, %get3A_67] : memref<24x32xf32, #tpu.memory_space<vmem>>, vector<24x32xf32>
    %broadcast_in_dim3A_69 = arith.constant 0.000000e+00 : f32
    %broadcast_in_dim3A_70 = vector.broadcast %broadcast_in_dim3A_69 : f32 to vector<8x32xf32>
    %concatenate3A_71 = tpu.concatenate %get3A_68, %broadcast_in_dim3A_70 in 0 : vector<24x32xf32>, vector<8x32xf32> -> vector<32x32xf32>
    %get3A_72 = arith.constant 0 : index
    %get3A_73 = arith.constant 0 : index
    %get3A_74 = vector.load %arg3[%get3A_72, %get3A_73] : memref<1x4096xi32, #tpu.memory_space<vmem>>, vector<1x4096xi32>
    %transpose3A_75 = tpu.transpose %get3A_74, [1, 0] : vector<1x4096xi32> -> vector<4096x1xi32>
    %iota3A = tpu.iota {dimensions = array<i32: 1>} : vector<4096x32xi32>
    %eq3A_76 = vector.broadcast %transpose3A_75 : vector<4096x1xi32> to vector<4096x32xi32>
    %eq3A_77 = arith.cmpi eq, %eq3A_76, %iota3A : vector<4096x32xi32>
    %convert_element_type3A = arith.extui %eq3A_77 : vector<4096x32xi1> to vector<4096x32xi32>
    %convert_element_type3A_78 = arith.sitofp %convert_element_type3A : vector<4096x32xi32> to vector<4096x32xf32>
    %get3A_79 = arith.constant 0 : index
    %get3A_80 = arith.constant 0 : index
    %get3A_81 = vector.load %arg4[%get3A_79, %get3A_80] : memref<1x4096xi32, #tpu.memory_space<vmem>>, vector<1x4096xi32>
    %transpose3A_82 = tpu.transpose %get3A_81, [1, 0] : vector<1x4096xi32> -> vector<4096x1xi32>
    %iota3A_83 = tpu.iota {dimensions = array<i32: 1>} : vector<4096x32xi32>
    %eq3A_84 = vector.broadcast %transpose3A_82 : vector<4096x1xi32> to vector<4096x32xi32>
    %eq3A_85 = arith.cmpi eq, %eq3A_84, %iota3A_83 : vector<4096x32xi32>
    %convert_element_type3A_86 = arith.extui %eq3A_85 : vector<4096x32xi1> to vector<4096x32xi32>
    %convert_element_type3A_87 = arith.sitofp %convert_element_type3A_86 : vector<4096x32xi32> to vector<4096x32xf32>
    %dot_general3A = arith.constant dense<0.000000e+00> : vector<4096x32xf32>
    %dot_general3A_88 = tpu.matmul %convert_element_type3A_78, %concatenate3A, %dot_general3A {dimension_numbers = #tpu.dot_dimension_numbers<[1], [0], [0], [1], [0, 0, 1, 1], [], []>, transpose_lhs_hint = false} : vector<4096x32xf32>, vector<32x32xf32>, vector<4096x32xf32> -> vector<4096x32xf32>
    %dot_general3A_89 = arith.constant dense<0.000000e+00> : vector<4096x32xf32>
    %dot_general3A_90 = tpu.matmul %convert_element_type3A_87, %concatenate3A_71, %dot_general3A_89 {dimension_numbers = #tpu.dot_dimension_numbers<[1], [0], [0], [1], [0, 0, 1, 1], [], []>, transpose_lhs_hint = false} : vector<4096x32xf32>, vector<32x32xf32>, vector<4096x32xf32> -> vector<4096x32xf32>
    %get3A_91 = arith.constant 0 : index
    %get3A_92 = arith.constant 0 : index
    %get3A_93 = vector.load %arg8[%get3A_91, %get3A_92] : memref<97x256xf32, #tpu.memory_space<vmem>>, vector<32x256xf32>
    %dot_general3A_94 = arith.constant dense<0.000000e+00> : vector<4096x256xf32>
    %dot_general3A_95 = tpu.matmul %select_n3A_60, %get3A_93, %dot_general3A_94 {dimension_numbers = #tpu.dot_dimension_numbers<[1], [0], [0], [1], [0, 0, 1, 1], [], []>, transpose_lhs_hint = false} : vector<4096x32xf32>, vector<32x256xf32>, vector<4096x256xf32> -> vector<4096x256xf32>
    %get3A_96 = arith.constant 32 : index
    %get3A_97 = arith.constant 0 : index
    %get3A_98 = vector.load %arg8[%get3A_96, %get3A_97] : memref<97x256xf32, #tpu.memory_space<vmem>>, vector<32x256xf32>
    %dot_general3A_99 = arith.constant dense<0.000000e+00> : vector<4096x256xf32>
    %dot_general3A_100 = tpu.matmul %dot_general3A_88, %get3A_98, %dot_general3A_99 {dimension_numbers = #tpu.dot_dimension_numbers<[1], [0], [0], [1], [0, 0, 1, 1], [], []>, transpose_lhs_hint = false} : vector<4096x32xf32>, vector<32x256xf32>, vector<4096x256xf32> -> vector<4096x256xf32>
    %add3A = arith.addf %dot_general3A_95, %dot_general3A_100 : vector<4096x256xf32>
    %get3A_101 = arith.constant 64 : index
    %get3A_102 = arith.constant 0 : index
    %get3A_103 = vector.load %arg8[%get3A_101, %get3A_102] : memref<97x256xf32, #tpu.memory_space<vmem>>, vector<32x256xf32>
    %dot_general3A_104 = arith.constant dense<0.000000e+00> : vector<4096x256xf32>
    %dot_general3A_105 = tpu.matmul %dot_general3A_90, %get3A_103, %dot_general3A_104 {dimension_numbers = #tpu.dot_dimension_numbers<[1], [0], [0], [1], [0, 0, 1, 1], [], []>, transpose_lhs_hint = false} : vector<4096x32xf32>, vector<32x256xf32>, vector<4096x256xf32> -> vector<4096x256xf32>
    %add3A_106 = arith.addf %add3A, %dot_general3A_105 : vector<4096x256xf32>
    %get3A_107 = arith.constant 0 : index
    %get3A_108 = arith.constant 0 : index
    %get3A_109 = vector.load %arg5[%get3A_107, %get3A_108] : memref<1x4096xf32, #tpu.memory_space<vmem>>, vector<1x4096xf32>
    %transpose3A_110 = tpu.transpose %get3A_109, [1, 0] : vector<1x4096xf32> -> vector<4096x1xf32>
    %get3A_111 = arith.constant 96 : index
    %get3A_112 = arith.constant 0 : index
    %get3A_113 = vector.load %arg8[%get3A_111, %get3A_112] : memref<97x256xf32, #tpu.memory_space<vmem>>, vector<1x256xf32>
    %mul3A = vector.broadcast %transpose3A_110 : vector<4096x1xf32> to vector<4096x256xf32>
    %mul3A_114 = vector.broadcast %get3A_113 : vector<1x256xf32> to vector<4096x256xf32>
    %mul3A_115 = arith.mulf %mul3A, %mul3A_114 : vector<4096x256xf32>
    %add3A_116 = arith.addf %add3A_106, %mul3A_115 : vector<4096x256xf32>
    %get3A_117 = arith.constant 0 : index
    %get3A_118 = arith.constant 0 : index
    %get3A_119 = vector.load %arg9[%get3A_117, %get3A_118] : memref<1x256xf32, #tpu.memory_space<vmem>>, vector<1x256xf32>
    %add3A_120 = vector.broadcast %get3A_119 : vector<1x256xf32> to vector<4096x256xf32>
    %add3A_121 = arith.addf %add3A_116, %add3A_120 : vector<4096x256xf32>
    %max3A = arith.constant 0.000000e+00 : f32
    %max3A_122 = vector.broadcast %max3A : f32 to vector<4096x256xf32>
    %max3A_123 = arith.maximumf %add3A_121, %max3A_122 : vector<4096x256xf32>
    %get3A_124 = arith.constant 0 : index
    %get3A_125 = arith.constant 0 : index
    %get3A_126 = vector.load %arg10[%get3A_124, %get3A_125] : memref<128x256xf32, #tpu.memory_space<vmem>>, vector<128x256xf32>
    %dot_general3A_127 = arith.constant dense<0.000000e+00> : vector<4096x128xf32>
    %dot_general3A_128 = tpu.matmul %max3A_123, %get3A_126, %dot_general3A_127 {dimension_numbers = #tpu.dot_dimension_numbers<[1], [1], [0], [0], [0, 0, 1, 0], [], []>, transpose_lhs_hint = false} : vector<4096x256xf32>, vector<128x256xf32>, vector<4096x128xf32> -> vector<4096x128xf32>
    %get3A_129 = arith.constant 0 : index
    %get3A_130 = arith.constant 0 : index
    %get3A_131 = vector.load %arg11[%get3A_129, %get3A_130] : memref<1x128xf32, #tpu.memory_space<vmem>>, vector<1x128xf32>
    %add3A_132 = vector.broadcast %get3A_131 : vector<1x128xf32> to vector<4096x128xf32>
    %add3A_133 = arith.addf %dot_general3A_128, %add3A_132 : vector<4096x128xf32>
    %max3A_134 = arith.constant 0.000000e+00 : f32
    %max3A_135 = vector.broadcast %max3A_134 : f32 to vector<4096x128xf32>
    %max3A_136 = arith.maximumf %add3A_133, %max3A_135 : vector<4096x128xf32>
    %get3A_137 = arith.constant 0 : index
    %get3A_138 = arith.constant 0 : index
    %get3A_139 = vector.load %arg12[%get3A_137, %get3A_138] : memref<4x128xf32, #tpu.memory_space<vmem>>, vector<4x128xf32>
    %dot_general3A_140 = arith.constant dense<0.000000e+00> : vector<4096x4xf32>
    %dot_general3A_141 = tpu.matmul %max3A_136, %get3A_139, %dot_general3A_140 {dimension_numbers = #tpu.dot_dimension_numbers<[1], [1], [0], [0], [0, 0, 1, 0], [], []>, transpose_lhs_hint = false} : vector<4096x128xf32>, vector<4x128xf32>, vector<4096x4xf32> -> vector<4096x4xf32>
    %get3A_142 = arith.constant 0 : index
    %get3A_143 = arith.constant 0 : index
    %get3A_144 = vector.load %arg13[%get3A_142, %get3A_143] : memref<1x4xf32, #tpu.memory_space<vmem>>, vector<1x4xf32>
    %add3A_145 = vector.broadcast %get3A_144 : vector<1x4xf32> to vector<4096x4xf32>
    %add3A_146 = arith.addf %dot_general3A_141, %add3A_145 : vector<4096x4xf32>
    %swap3A = arith.constant 0 : index
    %swap3A_147 = arith.constant 0 : index
    %swap3A_148 = vector.load %arg14[%swap3A, %swap3A_147] : memref<4096x4xf32, #tpu.memory_space<vmem>>, vector<4096x4xf32>
    tpu.vector_store %arg14[%swap3A, %swap3A_147], %add3A_146 {strides = array<i32>} : memref<4096x4xf32, #tpu.memory_space<vmem>>, vector<4096x4xf32>,
    return
  }
  func.func @transform_0(%arg0: i32) -> (i32, i32) {
    %c0_i32 = arith.constant 0 : i32
    %c0_i32_0 = arith.constant 0 : i32
    return %arg0, %c0_i32 : i32, i32
  }
  func.func @transform_1(%arg0: i32) -> (i32, i32) {
    %c0_i32 = arith.constant 0 : i32
    %c0_i32_0 = arith.constant 0 : i32
    return %c0_i32, %arg0 : i32, i32
  }
  func.func @transform_2(%arg0: i32) -> (i32, i32) {
    %c0_i32 = arith.constant 0 : i32
    %c0_i32_0 = arith.constant 0 : i32
    return %c0_i32, %arg0 : i32, i32
  }
  func.func @transform_3(%arg0: i32) -> (i32, i32) {
    %c0_i32 = arith.constant 0 : i32
    %c0_i32_0 = arith.constant 0 : i32
    return %c0_i32, %arg0 : i32, i32
  }
  func.func @transform_4(%arg0: i32) -> (i32, i32) {
    %c0_i32 = arith.constant 0 : i32
    %c0_i32_0 = arith.constant 0 : i32
    return %c0_i32, %arg0 : i32, i32
  }
  func.func @transform_5(%arg0: i32) -> (i32, i32) {
    %c0_i32 = arith.constant 0 : i32
    %c0_i32_0 = arith.constant 0 : i32
    %c0_i32_1 = arith.constant 0 : i32
    return %c0_i32, %c0_i32_0 : i32, i32
  }
  func.func @transform_6(%arg0: i32) -> (i32, i32) {
    %c0_i32 = arith.constant 0 : i32
    %c0_i32_0 = arith.constant 0 : i32
    %c0_i32_1 = arith.constant 0 : i32
    return %c0_i32, %c0_i32_0 : i32, i32
  }
  func.func @transform_7(%arg0: i32) -> (i32, i32) {
    %c0_i32 = arith.constant 0 : i32
    %c0_i32_0 = arith.constant 0 : i32
    %c0_i32_1 = arith.constant 0 : i32
    return %c0_i32, %c0_i32_0 : i32, i32
  }
  func.func @transform_8(%arg0: i32) -> (i32, i32) {
    %c0_i32 = arith.constant 0 : i32
    %c0_i32_0 = arith.constant 0 : i32
    %c0_i32_1 = arith.constant 0 : i32
    return %c0_i32, %c0_i32_0 : i32, i32
  }
  func.func @transform_9(%arg0: i32) -> (i32, i32) {
    %c0_i32 = arith.constant 0 : i32
    %c0_i32_0 = arith.constant 0 : i32
    %c0_i32_1 = arith.constant 0 : i32
    return %c0_i32, %c0_i32_0 : i32, i32
  }
  func.func @transform_10(%arg0: i32) -> (i32, i32) {
    %c0_i32 = arith.constant 0 : i32
    %c0_i32_0 = arith.constant 0 : i32
    %c0_i32_1 = arith.constant 0 : i32
    return %c0_i32, %c0_i32_0 : i32, i32
  }
  func.func @transform_11(%arg0: i32) -> (i32, i32) {
    %c0_i32 = arith.constant 0 : i32
    %c0_i32_0 = arith.constant 0 : i32
    %c0_i32_1 = arith.constant 0 : i32
    return %c0_i32, %c0_i32_0 : i32, i32
  }
  func.func @transform_12(%arg0: i32) -> (i32, i32) {
    %c0_i32 = arith.constant 0 : i32
    %c0_i32_0 = arith.constant 0 : i32
    %c0_i32_1 = arith.constant 0 : i32
    return %c0_i32, %c0_i32_0 : i32, i32
  }
  func.func @transform_13(%arg0: i32) -> (i32, i32) {
    %c0_i32 = arith.constant 0 : i32
    %c0_i32_0 = arith.constant 0 : i32
    return %arg0, %c0_i32 : i32, i32
  }
}

</mosaic_0001>

<sc_bundles>
// kernel: kernel.5.cloned.1.call-start
scs
__scs_entry_jumppad:
0x0: {  	(pc) =	sbr.rel $0x88, $3  }
0x1: {  	(tag) =	ssettag $0x0;
	lr =	simm.s32 $0x1  }
0x2: {  	[smem:$0x3F94] =	sst lr;
	_ =	strace $0xD0000000  }
0x3: {  	_ = 	snop  }
0x4: {  	_ = 	snop  }
0x5: {  	_ = 	snop  }
0x6: {  	_ = 	snop  }
0x7: {  	_ = 	snop  }
__scs_overlays_trampoline_lowered:
0x8: {  	[smem:$0x3FA3] =	sst s0  }
0x9: {  	[smem:$0x3FA4] =	sst s1  }
0xa: {  	[smem:$0x3FA5] =	sst s2  }
0xb: {  	[smem:$0x3FA6] =	sst s3  }
0xc: {  	[smem:$0x3FA7] =	sst s4  }
0xd: {  	[smem:$0x3FA8] =	sst s5  }
0xe: {  	[smem:$0x3FA9] =	sst s6  }
0xf: {  	[smem:$0x3FAA] =	sst s7  }
0x10: {  	[smem:$0x3FAB] =	sst s8  }
0x11: {  	[smem:$0x3FAC] =	sst s9;
	s0 =	simm.s32 @!p0 $0x0  }
0x12: {  	s1 =	sld [smem:$0x3F92];
	s0 =	simm.s32 @p0 $0x1  }
0x13: {  	[smem:$0x3FAD] =	sst s0;
	s0 =	simm.s32 @!p1 $0x0  }
0x14: {  	s2 =	sld [smem:$0x3F91];
	s0 =	simm.s32 @p1 $0x1  }
0x15: {  	[smem:$0x3FAE] =	sst s0;
	s0 =	simm.s32 @!p2 $0x0  }
0x16: {  	s3 =	sld [smem:$0x3FDB];
	s0 =	simm.s32 @p2 $0x1  }
0x17: {  	s4 =	simm.s32 $0x1BF5;
	[smem:$0x3FB0] =	sst s0  }
0x18: {  	s0 =	sld [smem:$0x3F93];
	_ =	swait.ge [sflag:s4], $0x0  }
0x19: {  	s7 =	sld [smem:$0x3F94]  }
0x1a: {  	s8 =	sadd.s32 $0xFFFFE003, lr  }
0x1b: {  	s9 =	sadd.s32 $0xFFFFFEF7, lr;
	s5 =	simm.s32 $0xFFFFFFFF;
	p2 =	slt.u32 s8, $0xFFFFF086  }
0x1c: {  	p1 =	slt.u32 s9, $0xF7A;
	s5 =	simm.s32 @!p2 $0x0  }
0x1d: {  	s5 =	simm.s32 @p1 $0x1;
	p0 =	seq.s32 s7, s2  }
0x1e: {  	s7 =	smul.u32 @!p0 $0xF7A, s2;
	p2 =	seq.s32 @!p0 s5, $0x0  }
0x1f: {  	s9 =	smul.u32 $0xF7A, s1;
	s8 =	simm.s32 @!p0 $0x1BF5;
	p2 =	por !p2, p0  }
0x20: {  	[sflag:s8] =	ssyncset.s32 @!p0 $0xFFFFF086;
	s6 =	sadd.s32 @!p0 s3, s7;
	s7 =	simm.s32 @!p0 $0x108  }
0x21: {  	s3 =	sadd.s32 s3, s9;
	s6 =	sadd.s32 @!p0 $0x88, s6;
	s7 =	simm.s32 @p2 $0x1082  }
0x22: {  	[simem:s7], [sflag:s8] =	dma.local @!p0 [hbm:s6], $0xF7A  }
0x23: {  	s9 =	sor.u32 $0xD0000000, s2;
	s6 =	simm.s32 $0x108;
	_ =	swait.ge @!p0 [sflag:s8], $0x0  }
0x24: {  	s3 =	sadd.s32 $0x88, s3;
	s6 =	simm.s32 @!p1 $0x1082;
	[sflag:s4] =	ssyncset.s32 $0xFFFFF086  }
0x25: {  	[simem:s6], [sflag:s4] =	dma.local [hbm:s3], $0xF7A  }
0x26: {  	[smem:$0x3F94] =	sst s1;
	(tag) =	ssettag s2;
	_ =	strace s9  }
0x27: {  	s1 =	sld [smem:$0x3FA4]  }
0x28: {  	s2 =	sld [smem:$0x3FA5]  }
0x29: {  	s4 =	sld [smem:$0x3FA7]  }
0x2a: {  	p0 =	seq.s32 s5, $0x0;
	s5 =	sld [smem:$0x3FA8]  }
0x2b: {  	s6 =	sld [smem:$0x3FA9]  }
0x2c: {  	s7 =	sld [smem:$0x3FAA]  }
0x2d: {  	s3 =	simm.s32 $0x108;
	s8 =	sld [smem:$0x3FAB]  }
0x2e: {  	s3 =	simm.s32 @!p0 $0x1082;
	s9 =	sld [smem:$0x3FAC]  }
0x2f: {  	lr =	sadd.s32 s0, s3;
	s0 =	sld [smem:$0x3FA3]  }
0x30: {  	s3 =	sld [smem:$0x3FA6]  }
0x31: {  	[smem:$0x3FAF] =	sst s10  }
0x32: {  	s10 =	sld [smem:$0x3FAD];
	_ =	sdelay $0x3  }
0x33: {  	p0 =	seq.s32 s10, $0x1;
	s10 =	sld [smem:$0x3FAF];
	_ =	sdelay $0x3  }
0x34: {  	[smem:$0x3FAF] =	sst s10  }
0x35: {  	s10 =	sld [smem:$0x3FAE];
	_ =	sdelay $0x3  }
0x36: {  	p1 =	seq.s32 s10, $0x1;
	s10 =	sld [smem:$0x3FAF];
	_ =	sdelay $0x3  }
0x37: {  	[smem:$0x3FAF] =	sst s10  }
0x38: {  	s10 =	sld [smem:$0x3FB0]  }
0x39: {  	_ = 	snop;
	(pc) =	sbr.ind lr, $3  }
0x3a: {  	_ = 	snop  }
0x3b: {  	_ = 	snop  }
0x3c: {  	p2 =	seq.s32 s10, $0x1;
	s10 =	sld [smem:$0x3FAF]  }
0x3d: {  	_ =	shalt  }
0x3e: {  	_ =	shalt  }
0x3f: {  	_ =	shalt  }
0x40: {  	_ =	shalt  }
0x41: {  	_ =	shalt  }
0x42: {  	_ =	shalt  }
0x43: {  	_ =	shalt  }
0x44: {  	_ =	shalt  }
0x45: {  	_ =	shalt  }
0x46: {  	_ =	shalt  }
0x47: {  	_ =	shalt  }
0x48: {  	_ =	shalt  }
0x49: {  	_ =	shalt  }
0x4a: {  	_ =	shalt  }
0x4b: {  	_ =	shalt  }
0x4c: {  	_ =	shalt  }
0x4d: {  	_ =	shalt  }
0x4e: {  	_ =	shalt  }
0x4f: {  	_ =	shalt  }
0x50: {  	_ =	shalt  }
0x51: {  	_ =	shalt  }
0x52: {  	_ =	shalt  }
0x53: {  	_ =	shalt  }
0x54: {  	_ =	shalt  }
0x55: {  	_ =	shalt  }
0x56: {  	_ =	shalt  }
0x57: {  	_ =	shalt  }
0x58: {  	_ =	shalt  }
0x59: {  	_ =	shalt  }
0x5a: {  	_ =	shalt  }
0x5b: {  	_ =	shalt  }
0x5c: {  	_ =	shalt  }
0x5d: {  	_ =	shalt  }
0x5e: {  	_ =	shalt  }
0x5f: {  	_ =	shalt  }
0x60: {  	_ =	shalt  }
0x61: {  	_ =	shalt  }
0x62: {  	_ =	shalt  }
0x63: {  	_ =	shalt  }
0x64: {  	_ =	shalt  }
0x65: {  	_ =	shalt  }
0x66: {  	_ =	shalt  }
0x67: {  	_ =	shalt  }
0x68: {  	_ =	shalt  }
0x69: {  	_ =	shalt  }
0x6a: {  	_ =	shalt  }
0x6b: {  	_ =	shalt  }
0x6c: {  	_ =	shalt  }
0x6d: {  	_ =	shalt  }
0x6e: {  	_ =	shalt  }
0x6f: {  	_ =	shalt  }
0x70: {  	_ =	shalt  }
0x71: {  	_ =	shalt  }
0x72: {  	_ =	shalt  }
0x73: {  	_ =	shalt  }
0x74: {  	_ =	shalt  }
0x75: {  	_ =	shalt  }
0x76: {  	_ =	shalt  }
0x77: {  	_ =	shalt  }
0x78: {  	_ =	shalt  }
0x79: {  	_ =	shalt  }
0x7a: {  	_ =	shalt  }
0x7b: {  	_ =	shalt  }
0x7c: {  	_ =	shalt  }
0x7d: {  	_ =	shalt  }
0x7e: {  	_ =	shalt  }
0x7f: {  	_ =	shalt  }
0x80: {  	_ =	shalt  }
0x81: {  	_ =	shalt  }
0x82: {  	_ =	shalt  }
0x83: {  	_ =	shalt  }
0x84: {  	_ =	shalt  }
0x85: {  	_ =	shalt  }
0x86: {  	_ =	shalt  }
0x87: {  	_ =	shalt  }
.Lfunc_end0:
.L_simem_size_0:
called_computation_lowered:
.L_overlay_start_0:
0x88: {  	s2 =	sld [smem:$0x3FD9]  }
0x89: {  	s3 =	sld [smem:$0x3FFE];
	_ =	sdelay $0x1  }
0x8a: {  	s1 =	srdreg.scid  }
0x8b: {  	s0 =	sand.u32 $0x1, s1  }
0x8c: {  	s17 =	sshll.u32 s0, $0xA;
	s2 =	sadd.s32 s3, s2  }
0x8d: {  	s2 =	sadd.s32 s2, s17  }
0x8e: {  	[smem:$0x3FBB] =	sst s2  }
0x8f: {  	_ = 	snop  }
0x90: {  	s2 =	sld [smem:$0x3FC9];
	(tm) =	ssettm $0x1  }
0x91: {  	s18 =	sld [smem:$0x3FFB];
	_ =	sdelay $0x3  }
0x92: {  	_ =	strace s18  }
0x93: {  	s3 =	sld [smem:$0x3FFC];
	_ =	sdelay $0x3  }
0x94: {  	_ =	strace s3  }
0x95: {  	s3 =	sld [smem:$0x3FFD];
	_ =	sdelay $0x3  }
0x96: {  	_ =	strace s3  }
0x97: {  	_ =	strace $0x8FFFFFFF  }
0x98: {  	s19 =	sld [smem:$0x3FDB];
	_ =	sdelay $0x1  }
0x99: {  	s4 =	simm.s32 $_scs_section_size  }
0x9a: {  	s5 =	simm.s32 $_size__tile_overlayer_lowered;
	s6 =	simm.s32 $_tile_overlayer_lowered  }
0x9b: {  	s22 =	simm.s32 $0x1BFF;
	s21 =	sshll.u32 s6, $0x1;
	s3 =	sadd.s32 s4, s19  }
0x9c: {  	s7 =	simm.s32 $0x0;
	s20 =	sshll.u32 s5, $0x1;
	s5 =	sadd.s32 s21, s3  }
0x9d: {  	[timem:s7], [sflag:s22] =	dma.local [hbm:s5], s20  }
0x9e: {  	_ =	swait.ge [sflag:s22], s20  }
0x9f: {  	s4 =	ssub.s32 $0x0, s20;
	[sflag:s22] =	ssyncset.done $0x0  }
0xa0: {  	[sflag:s22] =	ssyncadd.s32 s4;
	_ =	sdelay $0x1  }
0xa1: {  	s23 =	simm.s32 $0x1B8B  }
0xa2: {  	_ =	swait.ge [sflag:s23], $0x1  }
0xa3: {  	[sflag:s23] =	ssyncset.done $0x0  }
0xa4: {  	s25 =	simm.s32 $0x1B8E;
	s24 =	sld [smem:$0x3FFE];
	[sflag:s23] =	ssyncadd.s32 $0xFFFFFFFF  }
0xa5: {  	s26 =	simm.s32 $execute0_lowered;
	[smem:$0x3FD2] =	sst s25  }
0xa6: {  	s5 =	sshll.u32 s26, $0x1;
	_ =	strace $0x80000046;
	[dreg:$0x1] =	wrdreg $0xFFFFFFFF  }
0xa7: {  	s28 =	simm.s32 $_size_execute0_lowered;
	s3 =	sadd.s32 s3, s5;
	[dreg:$0x0] =	wrdreg $0x0  }
0xa8: {  	s5 =	sshll.u32 s28, $0x1;
	[dreg:$0x2] =	wrdreg s3  }
0xa9: {  	[dreg:$0x3] =	wrdreg s5  }
0xaa: {  	[dreg:$0x4] =	wrdreg $0xC0  }
0xab: {  	_ =	task [dreg:s7], $0x5FFFF  }
0xac: {  	[dreg:$0x1] =	wrdreg $0xFFFFFFFF  }
0xad: {  	[dreg:$0x0] =	wrdreg $0x60  }
0xae: {  	[dreg:$0x2] =	wrdreg s2  }
0xaf: {  	[dreg:$0x3] =	wrdreg s24  }
0xb0: {  	[dreg:$0x4] =	wrdreg $0x9  }
0xb1: {  	_ =	task.clear_ibuf [dreg:s7], $0x5FFFF;
	_ =	strace $0x90000046  }
0xb2: {  	s29 =	simm.s32 $0x9;
	_ =	strace $0x80000048  }
0xb3: {  	_ =	swait.ge [sflag:s29], $0x1  }
0xb4: {  	[sflag:s29] =	ssyncadd.s32 $0xFFFFFFFF  }
0xb5: {  	_ =	strace $0x90000048  }
0xb6: {  	_ =	sfence  }
0xb7: {  	s30 =	sld [smem:$0x0];
	_ =	sdelay $0x2  }
0xb8: {  	s31 =	sshll.u32 s1, $0xD;
	s1 =	sshrl.u32 s1, $0x2  }
0xb9: {  	s3 =	sand.u32 $0x4000, s31;
	s1 =	sadd.s32 s1, s30  }
0xba: {  	s0 =	sor.u32 s3, s0;
	s1 =	sshll.u32 s1, $0x11  }
0xbb: {  	s0 =	sor.u32 s1, s0  }
0xbc: {  	s0 =	sadd.s32 $0x8F2B, s0  }
0xbd: {  	[sflag:s0] =	ssyncadd.remote.s32 $0x1  }
0xbe: {  	_ =	sfence.sel $0xFFFF  }
0xbf: {  	[dreg:$0x0] =	wrdreg $0xFFFFFFFF;
	(pc) =	sbr.abs _section_cstart, $3  }
0xc0: {  	[dreg:$0x1] =	wrdreg $0xFFFFFFFF  }
0xc1: {  	_ =	task.clear_ibuf [dreg:s7], $0x2FFFF;
	_ =	strace $0x9FFFFFFF  }
0xc2: {  	(tm) =	ssettm $0x7FFFFFFF  }
0xc3: {  	_ =	shalt  }
tec
execute0_lowered:
.L_overlay_start_1:
0x0: {  	(tag) =	ssettag $0x1  }
0x1: {  	s1 =	srdreg.scid  }
0x2: {  	s3 =	rddreg [dreg:$0x0];
	s0 =	stileid.u32;
	s4 =	sand.u32 $0x1, s1  }
0x3: {  	s5 =	rddreg [dreg:$0x1];
	s6 =	sshll.u32 s0, $0xA;
	s7 =	sshll.u32 s4, $0x9  }
0x4: {  	s2 =	simm.s32 $0x0;
	s1 =	rddreg [dreg:$0x2];
	s6 =	sor.u32 s7, s6  }
0x5: {  	[smem:$0x7FF] =	sst s2;
	s7 =	sshrl.u32 s6, $0x3  }
0x6: {  	_ =	strace $0x80000047;
	s9 =	sadd.s32 s3, s7;
	s3 =	simm.s32 $0x2  }
0x7: {  	[tilespmem:s2], [sflag:$0x2] =	stream.linear.gather [hbm4b:s9+s2], $0x200, $0x38;
	[tilespmem:$0x10400] =	vst v63  }
0x8: {  	_ =	swait.ge [sflag:s3], $0x200  }
0x9: {  	[sflag:s3] =	ssyncset.done $0x0  }
0xa: {  	[sflag:s3] =	ssyncadd.s32 $0xFFFFFE00  }
0xb: {  	v0 =	vld [tilespmem:$0x1F0]  }
0xc: {  	v1 =	vld [tilespmem:$0x1B0]  }
0xd: {  	v3 =	vld [tilespmem:$0xC0]  }
0xe: {  	v7 =	vld [tilespmem:$0x20]  }
0xf: {  	v2 =	vld [tilespmem:$0x50]  }
0x10: {  	v8 =	vld [tilespmem:$0x10]  }
0x11: {  	s4 =	ssub.s32 $0x2, s4;
	v12 =	vld [tilespmem:$0x1E0];
	v4 =	vshra.s32 v0, $0x3;
	v5 =	vshra.s32 v1, $0x3  }
0x12: {  	s31 =	sshrl.u32 s4, $0x1;
	v11 =	vld [tilespmem:$0x30];
	v0 =	vand.u32 $0xFFF, v0;
	v1 =	vand.u32 $0xFFF, v1;
	v4 =	vand.u32 $0xFFFFF000, v4  }
0x13: {  	s7 =	ssub.s32 s4, s31;
	v13 =	vld [tilespmem:$0x0];
	v16 =	vand.u32 $0xFFF, v7;
	v10 =	vor.u32 v0, v4;
	v0 =	vshra.s32 v3, $0x3  }
0x14: {  	s10 =	smax.u32 s7, $0x1;
	v6 =	vld [tilespmem:$0x60];
	v4 =	vand.u32 $0xFFFFF000, v5;
	v3 =	vand.u32 $0xFFF, v3;
	v5 =	vshra.s32 v2, $0x3  }
0x15: {  	p0 =	sne.s32 s10, $0x1;
	v9 =	vld [tilespmem:$0x70];
	v0 =	vand.u32 $0xFFFFF000, v0;
	v14 =	vor.u32 v1, v4;
	v4 =	vand.u32 $0xFFF, v2  }
.Ltmp0:
0x16: {  	v1 =	vshra.s32 v8, $0x3;
	[tilespmem:$0x3F0] =	vst v10;
	v10 =	vshra.s32 v7, $0x3;
	v7 =	vld [tilespmem:$0x90];
	v2 =	vshra.s32 v12, $0x3;
	(pc) =	sbr.rel @!p0 .LBB2_2-.Ltmp0, $4  }
0x17: {  	v15 =	vor.u32 v3, v0;
	v0 =	vand.u32 $0xFFF, v8;
	v3 =	vshra.s32 v11, $0x3;
	v8 =	vld [tilespmem:$0x80]  }
0x18: {  	s8 =	simm.s32 $0x1;
	s6 =	sshll.u32 s6, $0x4;
	[tilespmem:$0x3B0] =	vst v14;
	v14 =	vand.u32 $0xFFFFF000, v10;
	v10 =	vld [tilespmem:$0xA0];
	v11 =	vand.u32 $0xFFF, v11;
	v17 =	vand.u32 $0xFFFFF000, v3  }
0x19: {  	s4 =	sadd.s32 $0x1E00, s5;
	s5 =	sadd.s32 s6, s5;
	s6 =	simm.s32 $0x200;
	v3 =	vand.u32 $0xFFF, v12;
	[tilespmem:$0x2C0] =	vst v15;
	v15 =	vshra.s32 v13, $0x3;
	v16 =	vor.u32 v16, v14;
	v12 =	vld [tilespmem:$0xB0]  }
0x1a: {  	s5 =	sadd.s32 $0x1F1E00, s5;
	s7 =	simm.s32 $0x400;
	s10 =	sadd.s32 $0xFFFFFFFF, s10;
	v14 =	vand.u32 $0xFFF, v13;
	[tilespmem:$0x220] =	vst v16;
	v13 =	vor.u32 v11, v17;
	v11 =	vld [tilespmem:$0x40];
	v16 =	vand.u32 $0xFFF, v9  }
.LBB2_1:
0x1b: {  	p0 =	sne.s32 s10, $0x1;
	s10 =	sadd.s32 $0xFFFFFFFF, s10;
	v15 =	vand.u32 $0xFFFFF000, v15;
	v17 =	vshra.s32 v6, $0x3;
	v9 =	vshra.s32 v9, $0x3;
	v18 =	vld [tilespmem:$0xD0]  }
0x1c: {  	v19 =	vand.u32 $0xFFF, v8;
	v17 =	vand.u32 $0xFFFFF000, v17;
	v9 =	vand.u32 $0xFFFFF000, v9;
	v20 =	vld [tilespmem:$0xE0]  }
0x1d: {  	v6 =	vand.u32 $0xFFF, v6;
	[tilespmem:$0x230] =	vst v13;
	v9 =	vor.u32 v16, v9;
	v13 =	vand.u32 $0xFFF, v7;
	v16 =	vld [tilespmem:$0xF0]  }
0x1e: {  	v8 =	vshra.s32 v8, $0x3;
	v14 =	vor.u32 v14, v15;
	[tilespmem:$0x270] =	vst v9;
	v9 =	vand.u32 $0xFFF, v10;
	v15 =	vld [tilespmem:$0x100]  }
0x1f: {  	v10 =	vshra.s32 v10, $0x3;
	v22 =	vand.u32 $0xFFF, v12;
	v21 =	vand.u32 $0xFFF, v11;
	v23 =	vld [tilespmem:$0x110]  }
0x20: {  	v7 =	vshra.s32 v7, $0x3;
	v12 =	vshra.s32 v12, $0x3;
	v10 =	vand.u32 $0xFFFFF000, v10;
	v24 =	vld [tilespmem:$0x120]  }
0x21: {  	v9 =	vor.u32 v9, v10;
	v10 =	vand.u32 $0xFFFFF000, v12;
	v12 =	vand.u32 $0xFFF, v18;
	[tilespmem:$0x200] =	vst v14;
	v14 =	vld [tilespmem:$0x130]  }
0x22: {  	v7 =	vand.u32 $0xFFFFF000, v7;
	v11 =	vshra.s32 v11, $0x3;
	[tilespmem:$0x2A0] =	vst v9;
	v9 =	vor.u32 v22, v10;
	v10 =	vld [tilespmem:$0x140]  }
0x23: {  	v5 =	vand.u32 $0xFFFFF000, v5;
	v7 =	vor.u32 v13, v7;
	[tilespmem:$0x2B0] =	vst v9;
	v9 =	vshra.s32 v18, $0x3;
	v13 =	vld [tilespmem:$0x150]  }
0x24: {  	v4 =	vor.u32 v4, v5;
	v5 =	vand.u32 $0xFFF, v20;
	[tilespmem:$0x290] =	vst v7;
	v7 =	vand.u32 $0xFFF, v15;
	v18 =	vld [tilespmem:$0x160]  }
0x25: {  	v6 =	vor.u32 v6, v17;
	v17 =	vshra.s32 v23, $0x3;
	v22 =	vshra.s32 v24, $0x3;
	v25 =	vld [tilespmem:$0x170]  }
0x26: {  	v17 =	vand.u32 $0xFFFFF000, v17;
	[tilespmem:$0x260] =	vst v6;
	v6 =	vshra.s32 v20, $0x3;
	v20 =	vand.u32 $0xFFF, v23;
	v23 =	vld [tilespmem:$0x180]  }
0x27: {  	[tilespmem:$0x250] =	vst v4;
	v4 =	vshra.s32 v16, $0x3;
	v17 =	vor.u32 v20, v17;
	v20 =	vand.u32 $0xFFF, v14;
	v26 =	vld [tilespmem:$0x190]  }
0x28: {  	v15 =	vshra.s32 v15, $0x3;
	v6 =	vand.u32 $0xFFFFF000, v6;
	v14 =	vshra.s32 v14, $0x3;
	[tilespmem:$0x310] =	vst v17;
	v17 =	vld [tilespmem:$0x1A0]  }
0x29: {  	v11 =	vand.u32 $0xFFFFF000, v11;
	v9 =	vand.u32 $0xFFFFF000, v9;
	v27 =	vand.u32 $0xFFF, v10;
	v28 =	vld [tilespmem:$0x1C0]  }
0x2a: {  	v11 =	vor.u32 v21, v11;
	v9 =	vor.u32 v12, v9;
	v12 =	vand.u32 $0xFFF, v16;
	v16 =	vld [tilespmem:$0x1D0]  }
0x2b: {  	v8 =	vand.u32 $0xFFFFF000, v8;
	v4 =	vand.u32 $0xFFFFF000, v4;
	[tilespmem:$0x240] =	vst v11;
	v11 =	vand.u32 $0xFFF, v25  }
0x2c: {  	v2 =	vand.u32 $0xFFFFF000, v2;
	v8 =	vor.u32 v19, v8;
	v10 =	vshra.s32 v10, $0x3  }
0x2d: {  	v1 =	vand.u32 $0xFFFFF000, v1;
	v2 =	vor.u32 v3, v2;
	v5 =	vor.u32 v5, v6;
	[tilespmem:$0x2D0] =	vst v9  }
0x2e: {  	v0 =	vor.u32 v0, v1;
	v1 =	vshra.s32 v18, $0x3;
	v3 =	vand.u32 $0xFFF, v26;
	[tilespmem:$0x3E0] =	vst v2  }
0x2f: {  	v1 =	vand.u32 $0xFFFFF000, v1;
	v2 =	vand.u32 $0xFFF, v18;
	[tilespmem:$0x210] =	vst v0;
	v0 =	vand.u32 $0xFFFFF000, v15  }
0x30: {  	v6 =	vand.u32 $0xFFFFF000, v10;
	[tilespmem:$0x280] =	vst v8;
	v0 =	vor.u32 v7, v0;
	v7 =	vshra.s32 v13, $0x3  }
0x31: {  	v4 =	vor.u32 v12, v4;
	[tilespmem:$0x2E0] =	vst v5;
	v5 =	vor.u32 v27, v6;
	v6 =	vand.u32 $0xFFF, v28  }
0x32: {  	v1 =	vor.u32 v2, v1;
	v2 =	vshra.s32 v28, $0x3;
	[tilespmem:$0x2F0] =	vst v4;
	v4 =	vand.u32 $0xFFF, v13  }
0x33: {  	v10 =	vshra.s32 v25, $0x3;
	v9 =	vand.u32 $0xFFF, v24;
	v8 =	vand.u32 $0xFFFFF000, v22  }
0x34: {  	v8 =	vor.u32 v9, v8;
	v9 =	vshra.s32 v26, $0x3;
	[tilespmem:$0x360] =	vst v1;
	v1 =	vand.u32 $0xFFFFF000, v10  }
0x35: {  	v2 =	vand.u32 $0xFFFFF000, v2;
	[tilespmem:$0x320] =	vst v8;
	v1 =	vor.u32 v11, v1;
	v8 =	vand.u32 $0xFFFFF000, v9  }
0x36: {  	v2 =	vor.u32 v6, v2;
	[tilespmem:$0x370] =	vst v1;
	v1 =	vor.u32 v3, v8;
	v3 =	vshra.s32 v17, $0x3  }
0x37: {  	v6 =	vand.u32 $0xFFF, v17;
	[tilespmem:$0x340] =	vst v5;
	v5 =	vand.u32 $0xFFFFF000, v7;
	v3 =	vand.u32 $0xFFFFF000, v3  }
0x38: {  	v4 =	vor.u32 v4, v5;
	v5 =	vshra.s32 v23, $0x3;
	v3 =	vor.u32 v6, v3;
	[tilespmem:$0x3C0] =	vst v2  }
0x39: {  	v2 =	vand.u32 $0xFFFFF000, v14;
	v6 =	vand.u32 $0xFFF, v23;
	v5 =	vand.u32 $0xFFFFF000, v5;
	[tilespmem:$0x3A0] =	vst v3  }
0x3a: {  	v3 =	vshra.s32 v16, $0x3;
	[tilespmem:$0x300] =	vst v0;
	v0 =	vor.u32 v20, v2;
	v2 =	vor.u32 v6, v5  }
0x3b: {  	[tilespmem:$0x330] =	vst v0;
	v0 =	vand.u32 $0xFFFFF000, v3;
	v3 =	vand.u32 $0xFFF, v16  }
0x3c: {  	[tilespmem:$0x380] =	vst v2;
	v0 =	vor.u32 v3, v0  }
0x3d: {  	[tilespmem:$0x3D0] =	vst v0  }
0x3e: {  	[tilespmem:$0x350] =	vst v4  }
0x3f: {  	[tilespmem:$0x390] =	vst v1  }
0x40: {  	[tilespmem:s7], [sflag:$0x1] =	stream.indirect.gather [hbm4b:s4+s6], $0x80, s6, s6, $0xb8;
	[tilespmem:$0x10400] =	vst v63  }
0x41: {  	_ =	swait.ge [sflag:s8], $0x10000  }
0x42: {  	[sflag:s8] =	ssyncset.done $0x0  }
0x43: {  	[sflag:s8] =	ssyncadd.s32 $0xFFFF0000  }
0x44: {  	[hbm4b:s5+s2] =	stream.linear.scatter [tilespmem:s7], [sflag:$0x2], $0x10000, $0x38;
	[tilespmem:$0x10400] =	vst v63  }
0x45: {  	_ =	swait.ge [sflag:s3], $0x10000  }
0x46: {  	[sflag:s3] =	ssyncset.done $0x0  }
0x47: {  	[sflag:s3] =	ssyncadd.s32 $0xFFFF0000  }
0x48: {  	[tilespmem:s2], [sflag:$0x2] =	stream.linear.gather [hbm4b:s9+s2], $0x200, $0x38;
	[tilespmem:$0x10400] =	vst v63  }
0x49: {  	_ =	swait.ge [sflag:s3], $0x200  }
0x4a: {  	[sflag:s3] =	ssyncset.done $0x0  }
0x4b: {  	[sflag:s3] =	ssyncadd.s32 $0xFFFFFE00  }
0x4c: {  	v0 =	vld [tilespmem:$0x1F0]  }
0x4d: {  	v1 =	vld [tilespmem:$0x1B0]  }
0x4e: {  	v2 =	vld [tilespmem:$0x50]  }
0x4f: {  	v3 =	vld [tilespmem:$0xC0]  }
0x50: {  	v7 =	vld [tilespmem:$0x20]  }
0x51: {  	v11 =	vld [tilespmem:$0x30];
	v4 =	vshra.s32 v0, $0x3  }
0x52: {  	v0 =	vand.u32 $0xFFF, v0;
	v8 =	vld [tilespmem:$0x10];
	v5 =	vshra.s32 v1, $0x3;
	v4 =	vand.u32 $0xFFFFF000, v4  }
0x53: {  	v1 =	vand.u32 $0xFFF, v1;
	v12 =	vld [tilespmem:$0x1E0];
	v0 =	vor.u32 v0, v4  }
0x54: {  	v5 =	vand.u32 $0xFFFFF000, v5;
	v13 =	vld [tilespmem:$0x0];
	v4 =	vshra.s32 v3, $0x3;
	[tilespmem:$0x3F0] =	vst v0  }
0x55: {  	v3 =	vand.u32 $0xFFF, v3;
	v1 =	vor.u32 v1, v5;
	v6 =	vld [tilespmem:$0x60];
	v0 =	vand.u32 $0xFFFFF000, v4  }
0x56: {  	v5 =	vshra.s32 v2, $0x3;
	v4 =	vand.u32 $0xFFF, v2;
	v9 =	vld [tilespmem:$0x70];
	v2 =	vor.u32 v3, v0;
	[tilespmem:$0x3B0] =	vst v1  }
.Ltmp1:
0x57: {  	v3 =	vshra.s32 v11, $0x3;
	v1 =	vshra.s32 v8, $0x3;
	v0 =	vand.u32 $0xFFF, v8;
	v8 =	vld [tilespmem:$0x80];
	[tilespmem:$0x2C0] =	vst v2;
	(pc) =	sbr.rel @p0 .LBB2_1-.Ltmp1, $4  }
0x58: {  	v10 =	vshra.s32 v7, $0x3;
	v14 =	vand.u32 $0xFFF, v7;
	v7 =	vld [tilespmem:$0x90];
	v2 =	vshra.s32 v12, $0x3  }
0x59: {  	v16 =	vand.u32 $0xFFFFF000, v10;
	v17 =	vand.u32 $0xFFFFF000, v3;
	v3 =	vand.u32 $0xFFF, v12;
	v10 =	vld [tilespmem:$0xA0]  }
0x5a: {  	v11 =	vand.u32 $0xFFF, v11;
	v16 =	vor.u32 v14, v16;
	v15 =	vshra.s32 v13, $0x3;
	v12 =	vld [tilespmem:$0xB0]  }
0x5b: {  	v14 =	vand.u32 $0xFFF, v13;
	v13 =	vor.u32 v11, v17;
	[tilespmem:$0x220] =	vst v16;
	v11 =	vld [tilespmem:$0x40];
	v16 =	vand.u32 $0xFFF, v9  }
.LBB2_2:
0x5c: {  	v17 =	vshra.s32 v6, $0x3;
	v9 =	vshra.s32 v9, $0x3  }
0x5d: {  	v15 =	vand.u32 $0xFFFFF000, v15;
	v41 =	vand.u32 $0xFFF, v6;
	v5 =	vand.u32 $0xFFFFF000, v5  }
0x5e: {  	v2 =	vand.u32 $0xFFFFF000, v2;
	v1 =	vand.u32 $0xFFFFF000, v1;
	v17 =	vand.u32 $0xFFFFF000, v17  }
0x5f: {  	v18 =	vld [tilespmem:$0xD0];
	v9 =	vand.u32 $0xFFFFF000, v9;
	v19 =	vand.u32 $0xFFF, v8;
	v20 =	vand.u32 $0xFFF, v7  }
0x60: {  	v42 =	vld [tilespmem:$0xE0];
	v14 =	vor.u32 v14, v15;
	v43 =	vshra.s32 v8, $0x3;
	v47 =	vshra.s32 v7, $0x3  }
0x61: {  	v21 =	vld [tilespmem:$0x100];
	v4 =	vor.u32 v4, v5;
	v2 =	vor.u32 v3, v2;
	v0 =	vor.u32 v0, v1  }
0x62: {  	v24 =	vld [tilespmem:$0x110];
	v9 =	vor.u32 v16, v9;
	v44 =	vand.u32 $0xFFF, v10;
	v45 =	vshra.s32 v10, $0x3  }
0x63: {  	v25 =	vld [tilespmem:$0x120];
	[tilespmem:$0x230] =	vst v13;
	v7 =	vand.u32 $0xFFFFF000, v47;
	v6 =	vor.u32 v41, v17;
	v8 =	vand.u32 $0xFFFFF000, v43  }
0x64: {  	v48 =	vld [tilespmem:$0xF0];
	[tilespmem:$0x200] =	vst v14;
	v23 =	vand.u32 $0xFFF, v12;
	v10 =	vand.u32 $0xFFFFF000, v45;
	v46 =	vshra.s32 v12, $0x3  }
0x65: {  	v51 =	vld [tilespmem:$0x130];
	[tilespmem:$0x250] =	vst v4;
	v7 =	vor.u32 v20, v7;
	v8 =	vor.u32 v19, v8;
	v22 =	vand.u32 $0xFFF, v11  }
0x66: {  	v54 =	vld [tilespmem:$0x140];
	[tilespmem:$0x3E0] =	vst v2;
	v10 =	vor.u32 v44, v10;
	v12 =	vand.u32 $0xFFFFF000, v46;
	v50 =	vshra.s32 v11, $0x3  }
0x67: {  	v61 =	vld [tilespmem:$0x170];
	[tilespmem:$0x210] =	vst v0;
	v49 =	vand.u32 $0xFFF, v18;
	v12 =	vor.u32 v23, v12;
	v52 =	vshra.s32 v18, $0x3  }
0x68: {  	v63 =	vld [tilespmem:$0x160];
	[tilespmem:$0x270] =	vst v9;
	v53 =	vand.u32 $0xFFF, v42;
	v55 =	vand.u32 $0xFFF, v21;
	v56 =	vshra.s32 v24, $0x3  }
0x69: {  	[tilespmem:$0x260] =	vst v6;
	v57 =	vshra.s32 v25, $0x3;
	v58 =	vand.u32 $0xFFF, v24;
	v59 =	vshra.s32 v42, $0x3  }
0x6a: {  	[tilespmem:$0x290] =	vst v7;
	v60 =	vshra.s32 v48, $0x3;
	v62 =	vand.u32 $0xFFF, v51;
	v21 =	vshra.s32 v21, $0x3  }
0x6b: {  	[tilespmem:$0x280] =	vst v8;
	v24 =	vshra.s32 v51, $0x3;
	v26 =	vand.u32 $0xFFFFF000, v50;
	v28 =	vand.u32 $0xFFF, v54  }
0x6c: {  	v31 =	vld [tilespmem:$0x1C0];
	[tilespmem:$0x2A0] =	vst v10;
	v13 =	vand.u32 $0xFFF, v48;
	v30 =	vand.u32 $0xFFF, v61;
	v32 =	vshra.s32 v54, $0x3  }
0x6d: {  	v33 =	vshra.s32 v63, $0x3;
	[tilespmem:$0x2B0] =	vst v12;
	v17 =	vand.u32 $0xFFFFF000, v56;
	v9 =	vor.u32 v22, v26  }
0x6e: {  	v34 =	vld [tilespmem:$0x1A0];
	v36 =	vand.u32 $0xFFF, v63;
	v27 =	vand.u32 $0xFFFFF000, v52;
	v17 =	vor.u32 v58, v17;
	[tilespmem:$0x240] =	vst v9  }
0x6f: {  	v41 =	vand.u32 $0xFFF, v25;
	v7 =	vand.u32 $0xFFFFF000, v59;
	v11 =	vor.u32 v49, v27;
	[tilespmem:$0x310] =	vst v17  }
0x70: {  	v37 =	vld [tilespmem:$0x150];
	v42 =	vshra.s32 v61, $0x3;
	v29 =	vand.u32 $0xFFFFF000, v60;
	v5 =	vor.u32 v53, v7;
	[tilespmem:$0x2D0] =	vst v11  }
0x71: {  	v39 =	vld [tilespmem:$0x180];
	v45 =	vshra.s32 v31, $0x3;
	v43 =	vand.u32 $0xFFFFF000, v42;
	v38 =	vor.u32 v13, v29;
	[tilespmem:$0x2E0] =	vst v5  }
0x72: {  	v1 =	vand.u32 $0xFFF, v31;
	v2 =	vand.u32 $0xFFFFF000, v32;
	v3 =	vor.u32 v30, v43;
	[tilespmem:$0x2F0] =	vst v38  }
0x73: {  	v47 =	vshra.s32 v34, $0x3;
	v46 =	vand.u32 $0xFFFFF000, v45;
	v2 =	vor.u32 v28, v2;
	[tilespmem:$0x370] =	vst v3  }
0x74: {  	v0 =	vand.u32 $0xFFF, v34;
	v35 =	vand.u32 $0xFFFFF000, v21;
	v1 =	vor.u32 v1, v46;
	[tilespmem:$0x340] =	vst v2  }
0x75: {  	v44 =	vld [tilespmem:$0x1D0];
	v50 =	vshra.s32 v37, $0x3;
	v7 =	vand.u32 $0xFFFFF000, v33;
	v10 =	vor.u32 v55, v35;
	[tilespmem:$0x3C0] =	vst v1  }
0x76: {  	v48 =	vld [tilespmem:$0x190];
	v51 =	vshra.s32 v39, $0x3;
	v40 =	vand.u32 $0xFFFFF000, v57;
	v7 =	vor.u32 v36, v7;
	[tilespmem:$0x300] =	vst v10  }
0x77: {  	v52 =	vand.u32 $0xFFF, v37;
	v49 =	vand.u32 $0xFFFFF000, v47;
	v5 =	vor.u32 v41, v40;
	[tilespmem:$0x360] =	vst v7  }
0x78: {  	v54 =	vand.u32 $0xFFFFF000, v51;
	v53 =	vand.u32 $0xFFFFF000, v24;
	v0 =	vor.u32 v0, v49;
	[tilespmem:$0x320] =	vst v5  }
0x79: {  	v55 =	vand.u32 $0xFFF, v39;
	v2 =	vor.u32 v62, v53;
	v3 =	vand.u32 $0xFFFFF000, v50;
	[tilespmem:$0x3A0] =	vst v0  }
0x7a: {  	v56 =	vshra.s32 v44, $0x3;
	v0 =	vor.u32 v55, v54;
	[tilespmem:$0x330] =	vst v2;
	v58 =	vand.u32 $0xFFF, v44  }
0x7b: {  	v1 =	vor.u32 v52, v3;
	v57 =	vand.u32 $0xFFFFF000, v56;
	v59 =	vshra.s32 v48, $0x3;
	[tilespmem:$0x380] =	vst v0  }
0x7c: {  	v61 =	vand.u32 $0xFFF, v48;
	[tilespmem:$0x350] =	vst v1;
	v60 =	vor.u32 v58, v57;
	v62 =	vand.u32 $0xFFFFF000, v59  }
0x7d: {  	[tilespmem:$0x3D0] =	vst v60;
	v63 =	vor.u32 v61, v62  }
0x7e: {  	[tilespmem:$0x390] =	vst v63  }
0x7f: {  	[tilespmem:s7], [sflag:$0x1] =	stream.indirect.gather [hbm4b:s4+s6], $0x80, s6, s6, $0xb8;
	[tilespmem:$0x10400] =	vst v63  }
0x80: {  	_ =	swait.ge [sflag:s8], $0x10000  }
0x81: {  	[sflag:s8] =	ssyncset.done $0x0  }
0x82: {  	[sflag:s8] =	ssyncadd.s32 $0xFFFF0000  }
0x83: {  	[hbm4b:s5+s2] =	stream.linear.scatter [tilespmem:s7], [sflag:$0x2], $0x10000, $0x38;
	[tilespmem:$0x10400] =	vst v63  }
0x84: {  	_ =	swait.ge [sflag:s3], $0x10000  }
0x85: {  	[sflag:s3] =	ssyncset.done $0x0  }
0x86: {  	[sflag:s3] =	ssyncadd.s32 $0xFFFF0000  }
0x87: {  	_ =	sfence.sel $0x180000  }
0x88: {  	[bflag:$0x0] =	sbarrier.arrive $0xFFFF  }
0x89: {  	p0 =	sne.s32 s0, $0x0;
	_ =	strace $0x90000047  }
0x8a: {  	s0 =	sadd.s32 @!p0 $0x100000, s1;
	[bflag:$0x2] =	sbarrier.arrive $0xFFFF  }
0x8b: {  	[sflag:s0] =	ssyncadd.tile.s32 @!p0 $0x1;
	_ =	shalt  }
.Lfunc_end2:
_tile_overlayer_lowered:
.L_overlay_start_2:
0x8c: {  	(tag) =	ssettag $0x2  }
0x8d: {  	s0 =	rddreg [dreg:$0x0];
	s2 =	stileid.u32  }
0x8e: {  	s1 =	rddreg [dreg:$0x1];
	p0 =	sne.s32 s2, $0x0  }
0x8f: {  	s3 =	rddreg [dreg:$0x2];
	[bflag:$0x3] =	sbarrier.arrive $0xFFFF;
	s2 =	simm.s32 @!p0 $0x1C02  }
0x90: {  	[timem:s3], [sflag:s2] =	dma.local @!p0 [hbm:s0], s1  }
0x91: {  	s0 =	simm.s32 @!p0 $0x2  }
0x92: {  	_ =	swait.ge @!p0 [sflag:s0], s1  }
0x93: {  	s1 =	ssub.s32 @!p0 $0x0, s1;
	[sflag:s0] =	ssyncset.done @!p0 $0x0  }
0x94: {  	[sflag:s0] =	ssyncadd.s32 @!p0 s1  }
0x95: {  	[bflag:$0x3] =	sbarrier.arrive $0xFFFF  }
0x96: {  	_ =	shalt  }

</sc_bundles>
